<compile_context>
chip_gen: v7x
topology: tpu7x:2x2x1
jax: 0.10.2.dev20260603
libtpu: 0.0.44.dev20260713+nightly
codegen_flags: <defaults>
</compile_context>

<pallas_src>
import functools

import numpy as np
import jax
import jax.numpy as jnp
from jax import lax
from jax.experimental import pallas as pl
from jax.experimental.pallas import tpu as pltpu
from jax.experimental.pallas import tpu_sc as plsc

B = 16384
E = 64
NWF = 18
NTF = 18
NDF = 12
HID = 100
NCLS = 79

NTOT = B * NWF
NW = 32
PER_W = NTOT // NW
CH = 128
SUB = 2
GROUP = CH * SUB
NG = PER_W // GROUP
EP = 128

NFEAT = NTF + NDF
P_ROWS = NFEAT * 48

BT = 1024

_e = np.zeros((NFEAT, P_ROWS), dtype=np.float32)
for _r in range(NFEAT):
    _e[_r, 48 * _r:48 * (_r + 1)] = 1.0
_EXP = _e.astype(jnp.bfloat16)

_MOD = np.tile(np.arange(48, dtype=np.float32), NFEAT)[None, :]


V = 1000003
TW = 13312
TBLK = -(-V // TW)


def _prep_table(wt_t):

    def body(in_ref, out_ref):
        out_ref[:, :E] = jnp.transpose(in_ref[...], (1, 0))

    return pl.pallas_call(
        body,
        grid=(TBLK,),
        in_specs=[pl.BlockSpec((E, TW), lambda j: (0, j))],
        out_specs=pl.BlockSpec((TW, EP), lambda j: (j, 0)),
        out_shape=jax.ShapeDtypeStruct((V, EP), jnp.float32),
    )(wt_t)


def _sc_word_gather(table, idx3):
    mesh = plsc.VectorSubcoreMesh(core_axis_name="c", subcore_axis_name="s")

    @functools.partial(
        pl.kernel,
        mesh=mesh,
        compiler_params=pltpu.CompilerParams(use_tc_tiling_on_sc=False),
        out_type=jax.ShapeDtypeStruct((NTOT, EP), jnp.float32),
        scratch_types=[
            pltpu.VMEM((PER_W // CH, CH), jnp.int32),
            pltpu.VMEM((GROUP, EP), jnp.float32),
            pltpu.VMEM((GROUP, EP), jnp.float32),
            pltpu.SemaphoreType.DMA,
            pltpu.SemaphoreType.DMA,
        ],
    )
    def k(table_h, idx_h, out_h, idx_v, rows_a, rows_b, sem_a, sem_b):
        wid = lax.axis_index("s") * 2 + lax.axis_index("c")
        pltpu.sync_copy(idx_h.at[wid], idx_v)
        base = wid * PER_W
        bufs = (rows_a, rows_b)
        sems = (sem_a, sem_b)

        def issue(g, buf, sem):
            for s in range(SUB):
                pltpu.async_copy(
                    table_h.at[idx_v.at[g * SUB + s]],
                    buf.at[pl.ds(s * CH, CH)],
                    sem,
                )

        def drain(buf, sem):
            pltpu.make_async_copy(table_h.at[pl.ds(0, GROUP)], buf,
                                  sem).wait()

        issue(0, rows_a, sem_a)

        def body(h, carry):
            g = 2 * h
            issue(g + 1, rows_b, sem_b)
            drain(rows_a, sem_a)
            pltpu.sync_copy(
                rows_a.at[:, pl.ds(0, E)],
                out_h.at[pl.ds(base + g * GROUP, GROUP), pl.ds(0, E)])

            @pl.when(g + 2 < NG)
            def _():
                issue(g + 2, rows_a, sem_a)

            drain(rows_b, sem_b)
            pltpu.sync_copy(
                rows_b.at[:, pl.ds(0, E)],
                out_h.at[pl.ds(base + (g + 1) * GROUP, GROUP), pl.ds(0, E)])
            return carry

        lax.fori_loop(0, NG // 2, body, 0)

    return k(table, idx3)


def _project_small_tables(tag_table, dep_table, w1_td):

    def body(tag_ref, dep_ref, w_ref, out_ref):
        for f in range(NTF):
            out_ref[48 * f:48 * (f + 1), :] = jnp.dot(
                tag_ref[...], w_ref[E * f:E * (f + 1), :],
                preferred_element_type=jnp.float32).astype(jnp.bfloat16)
        for f in range(NDF):
            base = 48 * (NTF + f)
            out_ref[base:base + 40, :] = jnp.dot(
                dep_ref[...], w_ref[NTF * E + E * f:NTF * E + E * (f + 1), :],
                preferred_element_type=jnp.float32).astype(jnp.bfloat16)
            out_ref[base + 40:base + 48, :] = jnp.zeros(
                (8, HID), dtype=jnp.bfloat16)

    return pl.pallas_call(
        body,
        out_shape=jax.ShapeDtypeStruct((P_ROWS, HID), jnp.bfloat16),
    )(tag_table, dep_table, w1_td)


def _mlp(yv, v_bf, w1w3, p_tbl, exp_mat, mod_row, b1, w2, b2):
    def body(y_ref, v_ref, w_ref, p_ref, e_ref, m_ref, b1_ref, w2_ref,
             b2_ref, out_ref):
        xv = jnp.dot(v_ref[...], e_ref[...],
                     preferred_element_type=jnp.float32)
        oh = (xv == m_ref[...]).astype(jnp.bfloat16)
        acc = jnp.dot(oh, p_ref[...], preferred_element_type=jnp.float32)
        for f in range(NWF):
            acc = acc + jnp.dot(y_ref[f][:, :E].astype(jnp.bfloat16),
                                w_ref[f],
                                preferred_element_type=jnp.float32)
        acc = acc + b1_ref[...]
        h = jnp.maximum(acc, 0.0).astype(jnp.bfloat16)
        out_ref[...] = (jnp.dot(h, w2_ref[...],
                                preferred_element_type=jnp.float32)
                        + b2_ref[...])

    grid = B // BT
    return pl.pallas_call(
        body,
        grid=(grid,),
        in_specs=[
            pl.BlockSpec((NWF, BT, EP), lambda i: (0, i, 0)),
            pl.BlockSpec((BT, NFEAT), lambda i: (i, 0)),
            pl.BlockSpec((NWF, E, HID), lambda i: (0, 0, 0)),
            pl.BlockSpec((P_ROWS, HID), lambda i: (0, 0)),
            pl.BlockSpec((NFEAT, P_ROWS), lambda i: (0, 0)),
            pl.BlockSpec((1, P_ROWS), lambda i: (0, 0)),
            pl.BlockSpec((1, HID), lambda i: (0, 0)),
            pl.BlockSpec((HID, NCLS), lambda i: (0, 0)),
            pl.BlockSpec((1, NCLS), lambda i: (0, 0)),
        ],
        out_specs=pl.BlockSpec((BT, NCLS), lambda i: (i, 0)),
        out_shape=jax.ShapeDtypeStruct((B, NCLS), jnp.float32),
    )(yv, v_bf, w1w3, p_tbl, exp_mat, mod_row, b1, w2, b2)


def kernel(X_word, X_tag, X_deprel, word_table, tag_table, deprel_table,
           W1, b1, W2, b2):
    idx3 = X_word.astype(jnp.int32).T.reshape(NW, PER_W // CH, CH)
    wt_pad = _prep_table(word_table.T)
    yv = _sc_word_gather(wt_pad, idx3).reshape(NWF, B, EP)

    p_tbl = _project_small_tables(tag_table, deprel_table, W1[NWF * E:, :])

    v_bf = jnp.concatenate(
        [X_tag.astype(jnp.int32), X_deprel.astype(jnp.int32)],
        axis=1).astype(jnp.bfloat16)
    w1w3 = W1[:NWF * E, :].reshape(NWF, E, HID).astype(jnp.bfloat16)

    return _mlp(yv, v_bf, w1w3, p_tbl, jnp.asarray(_EXP),
                jnp.asarray(_MOD), b1.reshape(1, HID),
                W2.astype(jnp.bfloat16), b2.reshape(1, NCLS))

# --- scband reference (transcript-rebuilt; emitter-appended) ---
"""Pipeline reference for scband-parser-model-57294863728932 (READ-ONLY COPY).

The authoritative reference and input builder live on the scoring server;
editing this copy changes nothing except your own understanding.
"""

import jax, jax.numpy as jnp
import numpy as np

N_WORD_IDS = 1000003
N_TAG_IDS = 48
N_DEPREL_IDS = 40
EMBED = 64
N_WORD_FEAT = 18
N_TAG_FEAT = 18
N_DEPREL_FEAT = 12
HIDDEN = 100
N_CLASSES = 79
BATCH = 16384


def setup_inputs(seed: int = 0) -> dict:
    key = jax.random.key(seed)
    k1, k2, k3, k4, k5, k6, k7, k8, k9, k10 = jax.random.split(key, 10)
    X_word = jax.random.randint(k1, (BATCH, N_WORD_FEAT), 0, N_WORD_IDS, dtype=jnp.int64 if jax.config.jax_enable_x64 else jnp.int32)
    X_tag = jax.random.randint(k2, (BATCH, N_TAG_FEAT), 0, N_TAG_IDS, dtype=jnp.int32)
    X_deprel = jax.random.randint(k3, (BATCH, N_DEPREL_FEAT), 0, N_DEPREL_IDS, dtype=jnp.int32)
    word_table = jax.random.normal(k4, (N_WORD_IDS, EMBED), dtype=jnp.float32) * 0.1
    tag_table = jax.random.normal(k5, (N_TAG_IDS, EMBED), dtype=jnp.float32) * 0.1
    deprel_table = jax.random.normal(k6, (N_DEPREL_IDS, EMBED), dtype=jnp.float32) * 0.1
    n_concat = (N_WORD_FEAT + N_TAG_FEAT + N_DEPREL_FEAT) * EMBED
    W1 = jax.random.normal(k7, (n_concat, HIDDEN), dtype=jnp.float32) * (1.0 / np.sqrt(n_concat))
    b1 = jnp.zeros((HIDDEN,), dtype=jnp.float32)
    W2 = jax.random.normal(k8, (HIDDEN, N_CLASSES), dtype=jnp.float32) * (1.0 / np.sqrt(HIDDEN))
    b2 = jnp.zeros((N_CLASSES,), dtype=jnp.float32)
    return {
        'X_word': X_word, 'X_tag': X_tag, 'X_deprel': X_deprel,
        'word_table': word_table, 'tag_table': tag_table, 'deprel_table': deprel_table,
        'W1': W1, 'b1': b1, 'W2': W2, 'b2': b2,
    }


def reference(X_word, X_tag, X_deprel, word_table, tag_table, deprel_table, W1, b1, W2, b2):
    # get_concat_embedding
    X_word_embed = jnp.take(word_table, X_word, axis=0)      # [B, 18, E]
    X_tag_embed = jnp.take(tag_table, X_tag, axis=0)          # [B, 18, E]
    X_deprel_embed = jnp.take(deprel_table, X_deprel, axis=0) # [B, 12, E]
    X_concat = jnp.concatenate((X_word_embed, X_tag_embed, X_deprel_embed), axis=1)  # [B, 48, E]
    B = X_word.shape[0]
    X = X_concat.reshape((B, -1)).astype(jnp.float32)
    # linear_stack: Linear -> ReLU -> Dropout(eval: identity) -> Linear
    h = jax.nn.relu(X @ W1 + b1)
    logits = h @ W2 + b2
    return logits

if __name__ == "__main__":
    import jax
    _d = setup_inputs()
    print(jax.jit(kernel)(*tuple(_d.values())))

</pallas_src>

<mosaic_0001>
#map = affine_map<(d0, d1) -> (0, 0)>
#map1 = affine_map<(d0, d1) -> (0, 0, 0)>
module attributes {stable_mosaic.version = 14 : i64} {
  func.func @k(%arg0: i32, %arg1: i32, %arg2: memref<1000003x128xf32, #tpu.memory_space<hbm>>, %arg3: memref<32x72x128xi32, #tpu.memory_space<hbm>>, %arg4: memref<294912x128xf32, #tpu.memory_space<hbm>>, %arg5: memref<72x128xi32, #tpu.memory_space<vmem>>, %arg6: memref<256x128xf32, #tpu.memory_space<vmem>>, %arg7: memref<256x128xf32, #tpu.memory_space<vmem>>, %arg8: memref<!tpu.dma_semaphore, #tpu.memory_space<semaphore_mem>>, %arg9: memref<!tpu.dma_semaphore, #tpu.memory_space<semaphore_mem>>) attributes {dimension_semantics = [#tpu.dimension_semantics<core_parallel>, #tpu.dimension_semantics<subcore_parallel>], iteration_bounds = array<i64: 2, 16>, scalar_prefetch = 0 : i64, scratch_operands = 5 : i64, tpu.core_type = #tpu.core_type<sc_vector_subcore>, window_params = [{transform_indices = #map}, {transform_indices = #map1}, {transform_indices = #map}]} {
    %mul3A = arith.constant 2 : i32
    %mul3A_0 = arith.muli %arg1, %mul3A : i32
    %add3A = arith.addi %mul3A_0, %arg0 : i32
    "tpu.region"() ({
      %run_scoped3A = tpu.sem_alloc : memref<!tpu.dma_semaphore, #tpu.memory_space<semaphore_mem>>
      %dma_start3A_27 = arith.constant 0 : i32
      %dma_start3A_28 = arith.constant 0 : i32
      %dma_start3A_29 = tpu.memref_slice %arg3[%add3A, %dma_start3A_27, %dma_start3A_28] : memref<32x72x128xi32, #tpu.memory_space<hbm>> -> memref<1x72x128xi32, #tpu.memory_space<hbm>>
      %dma_start3A_30 = tpu.memref_squeeze %dma_start3A_29 : memref<1x72x128xi32, #tpu.memory_space<hbm>> -> memref<72x128xi32, #tpu.memory_space<hbm>>
      %dma_start3A_31 = arith.constant 0 : i32
      %dma_start3A_32 = arith.constant 0 : i32
      %dma_start3A_33 = tpu.memref_slice %arg3[%add3A, %dma_start3A_31, %dma_start3A_32] : memref<32x72x128xi32, #tpu.memory_space<hbm>> -> memref<1x72x128xi32, #tpu.memory_space<hbm>>
      %dma_start3A_34 = tpu.memref_squeeze %dma_start3A_33 : memref<1x72x128xi32, #tpu.memory_space<hbm>> -> memref<72x128xi32, #tpu.memory_space<hbm>>
      tpu.enqueue_dma source(%dma_start3A_34 : memref<72x128xi32, #tpu.memory_space<hbm>>) target(%arg5 : memref<72x128xi32, #tpu.memory_space<vmem>>) target_semaphore(%run_scoped3A : memref<!tpu.dma_semaphore, #tpu.memory_space<semaphore_mem>>)
      %dma_wait3A = arith.constant 0 : i32
      %dma_wait3A_35 = arith.constant 0 : i32
      %dma_wait3A_36 = tpu.memref_slice %arg3[%add3A, %dma_wait3A, %dma_wait3A_35] : memref<32x72x128xi32, #tpu.memory_space<hbm>> -> memref<1x72x128xi32, #tpu.memory_space<hbm>>
      %dma_wait3A_37 = tpu.memref_squeeze %dma_wait3A_36 : memref<1x72x128xi32, #tpu.memory_space<hbm>> -> memref<72x128xi32, #tpu.memory_space<hbm>>
      %dma_wait3A_38 = arith.constant 0 : i32
      %dma_wait3A_39 = arith.constant 0 : i32
      %dma_wait3A_40 = tpu.memref_slice %arg3[%add3A, %dma_wait3A_38, %dma_wait3A_39] : memref<32x72x128xi32, #tpu.memory_space<hbm>> -> memref<1x72x128xi32, #tpu.memory_space<hbm>>
      %dma_wait3A_41 = tpu.memref_squeeze %dma_wait3A_40 : memref<1x72x128xi32, #tpu.memory_space<hbm>> -> memref<72x128xi32, #tpu.memory_space<hbm>>
      tpu.wait_dma2 semaphore(%run_scoped3A : memref<!tpu.dma_semaphore, #tpu.memory_space<semaphore_mem>>) src(%dma_wait3A_41 : memref<72x128xi32, #tpu.memory_space<hbm>>) dst(%arg5 : memref<72x128xi32, #tpu.memory_space<vmem>>)
      tpu.yield
    }) : () -> ()
    %mul3A_1 = arith.constant 9216 : i32
    %mul3A_2 = arith.muli %add3A, %mul3A_1 : i32
    %dma_start3A = arith.constant 0 : i32
    %dma_start3A_3 = arith.constant 0 : i32
    %dma_start3A_4 = arith.constant 0 : i32
    %dma_start3A_5 = tpu.memref_slice %arg6[%dma_start3A_3, %dma_start3A_4] : memref<256x128xf32, #tpu.memory_space<vmem>> -> memref<128x128xf32, #tpu.memory_space<vmem>>
    %dma_start3A_6 = arith.constant 0 : i32
    %dma_start3A_7 = tpu.memref_slice %arg5[%dma_start3A, %dma_start3A_6] : memref<72x128xi32, #tpu.memory_space<vmem>> -> memref<1x128xi32, #tpu.memory_space<vmem>>
    %dma_start3A_8 = tpu.memref_squeeze %dma_start3A_7 : memref<1x128xi32, #tpu.memory_space<vmem>> -> memref<128xi32, #tpu.memory_space<vmem>>
    %dma_start3A_9 = arith.constant 0 : i32
    %dma_start3A_10 = arith.constant 0 : i32
    %dma_start3A_11 = tpu.memref_slice %arg2[%dma_start3A_9, %dma_start3A_10] : memref<1000003x128xf32, #tpu.memory_space<hbm>> -> memref<1000003x128xf32, #tpu.memory_space<hbm>>
    tpu.enqueue_indirect_dma source(%dma_start3A_11 : memref<1000003x128xf32, #tpu.memory_space<hbm>>) target(%dma_start3A_5 : memref<128x128xf32, #tpu.memory_space<vmem>>) offsets(%dma_start3A_8 : memref<128xi32, #tpu.memory_space<vmem>>) semaphore(%arg8 : memref<!tpu.dma_semaphore, #tpu.memory_space<semaphore_mem>>)
    %dma_start3A_12 = arith.constant 1 : i32
    %dma_start3A_13 = arith.constant 128 : i32
    %dma_start3A_14 = arith.constant 0 : i32
    %dma_start3A_15 = tpu.memref_slice %arg6[%dma_start3A_13, %dma_start3A_14] : memref<256x128xf32, #tpu.memory_space<vmem>> -> memref<128x128xf32, #tpu.memory_space<vmem>>
    %dma_start3A_16 = arith.constant 0 : i32
    %dma_start3A_17 = tpu.memref_slice %arg5[%dma_start3A_12, %dma_start3A_16] : memref<72x128xi32, #tpu.memory_space<vmem>> -> memref<1x128xi32, #tpu.memory_space<vmem>>
    %dma_start3A_18 = tpu.memref_squeeze %dma_start3A_17 : memref<1x128xi32, #tpu.memory_space<vmem>> -> memref<128xi32, #tpu.memory_space<vmem>>
    %dma_start3A_19 = arith.constant 0 : i32
    %dma_start3A_20 = arith.constant 0 : i32
    %dma_start3A_21 = tpu.memref_slice %arg2[%dma_start3A_19, %dma_start3A_20] : memref<1000003x128xf32, #tpu.memory_space<hbm>> -> memref<1000003x128xf32, #tpu.memory_space<hbm>>
    tpu.enqueue_indirect_dma source(%dma_start3A_21 : memref<1000003x128xf32, #tpu.memory_space<hbm>>) target(%dma_start3A_15 : memref<128x128xf32, #tpu.memory_space<vmem>>) offsets(%dma_start3A_18 : memref<128xi32, #tpu.memory_space<vmem>>) semaphore(%arg8 : memref<!tpu.dma_semaphore, #tpu.memory_space<semaphore_mem>>)
    %scan3A = arith.constant 0 : i32
    %scan3A_22 = arith.constant 0 : i32
    %scan3A_23 = arith.constant 18 : i32
    %scan3A_24 = arith.addi %scan3A_22, %scan3A_23 : i32
    %scan3A_25 = arith.constant 1 : i32
    scf.for %scan3A_27 = %scan3A_22 to %scan3A_24 step %scan3A_25  : i32 {
      %mul3A_28 = arith.constant 2 : i32
      %mul3A_29 = arith.muli %mul3A_28, %scan3A_27 : i32
      %add3A_30 = arith.constant 1 : i32
      %add3A_31 = arith.addi %mul3A_29, %add3A_30 : i32
      %mul3A_32 = arith.constant 2 : i32
      %mul3A_33 = arith.muli %add3A_31, %mul3A_32 : i32
      %add3A_34 = arith.constant 0 : i32
      %add3A_35 = arith.addi %mul3A_33, %add3A_34 : i32
      %dma_start3A_36 = arith.constant 0 : i32
      %dma_start3A_37 = arith.constant 0 : i32
      %dma_start3A_38 = tpu.memref_slice %arg7[%dma_start3A_36, %dma_start3A_37] : memref<256x128xf32, #tpu.memory_space<vmem>> -> memref<128x128xf32, #tpu.memory_space<vmem>>
      %dma_start3A_39 = arith.constant 0 : i32
      %dma_start3A_40 = tpu.memref_slice %arg5[%add3A_35, %dma_start3A_39] : memref<72x128xi32, #tpu.memory_space<vmem>> -> memref<1x128xi32, #tpu.memory_space<vmem>>
      %dma_start3A_41 = tpu.memref_squeeze %dma_start3A_40 : memref<1x128xi32, #tpu.memory_space<vmem>> -> memref<128xi32, #tpu.memory_space<vmem>>
      %dma_start3A_42 = arith.constant 0 : i32
      %dma_start3A_43 = arith.constant 0 : i32
      %dma_start3A_44 = tpu.memref_slice %arg2[%dma_start3A_42, %dma_start3A_43] : memref<1000003x128xf32, #tpu.memory_space<hbm>> -> memref<1000003x128xf32, #tpu.memory_space<hbm>>
      tpu.enqueue_indirect_dma source(%dma_start3A_44 : memref<1000003x128xf32, #tpu.memory_space<hbm>>) target(%dma_start3A_38 : memref<128x128xf32, #tpu.memory_space<vmem>>) offsets(%dma_start3A_41 : memref<128xi32, #tpu.memory_space<vmem>>) semaphore(%arg9 : memref<!tpu.dma_semaphore, #tpu.memory_space<semaphore_mem>>)
      %mul3A_45 = arith.constant 2 : i32
      %mul3A_46 = arith.muli %add3A_31, %mul3A_45 : i32
      %add3A_47 = arith.constant 1 : i32
      %add3A_48 = arith.addi %mul3A_46, %add3A_47 : i32
      %dma_start3A_49 = arith.constant 128 : i32
      %dma_start3A_50 = arith.constant 0 : i32
      %dma_start3A_51 = tpu.memref_slice %arg7[%dma_start3A_49, %dma_start3A_50] : memref<256x128xf32, #tpu.memory_space<vmem>> -> memref<128x128xf32, #tpu.memory_space<vmem>>
      %dma_start3A_52 = arith.constant 0 : i32
      %dma_start3A_53 = tpu.memref_slice %arg5[%add3A_48, %dma_start3A_52] : memref<72x128xi32, #tpu.memory_space<vmem>> -> memref<1x128xi32, #tpu.memory_space<vmem>>
      %dma_start3A_54 = tpu.memref_squeeze %dma_start3A_53 : memref<1x128xi32, #tpu.memory_space<vmem>> -> memref<128xi32, #tpu.memory_space<vmem>>
      %dma_start3A_55 = arith.constant 0 : i32
      %dma_start3A_56 = arith.constant 0 : i32
      %dma_start3A_57 = tpu.memref_slice %arg2[%dma_start3A_55, %dma_start3A_56] : memref<1000003x128xf32, #tpu.memory_space<hbm>> -> memref<1000003x128xf32, #tpu.memory_space<hbm>>
      tpu.enqueue_indirect_dma source(%dma_start3A_57 : memref<1000003x128xf32, #tpu.memory_space<hbm>>) target(%dma_start3A_51 : memref<128x128xf32, #tpu.memory_space<vmem>>) offsets(%dma_start3A_54 : memref<128xi32, #tpu.memory_space<vmem>>) semaphore(%arg9 : memref<!tpu.dma_semaphore, #tpu.memory_space<semaphore_mem>>)
      %dma_wait3A = arith.constant 0 : i32
      %dma_wait3A_58 = arith.constant 0 : i32
      %dma_wait3A_59 = tpu.memref_slice %arg2[%dma_wait3A, %dma_wait3A_58] : memref<1000003x128xf32, #tpu.memory_space<hbm>> -> memref<256x128xf32, #tpu.memory_space<hbm>>
      %dma_wait3A_60 = arith.constant 0 : i32
      %dma_wait3A_61 = arith.constant 0 : i32
      %dma_wait3A_62 = tpu.memref_slice %arg2[%dma_wait3A_60, %dma_wait3A_61] : memref<1000003x128xf32, #tpu.memory_space<hbm>> -> memref<256x128xf32, #tpu.memory_space<hbm>>
      tpu.wait_dma2 semaphore(%arg8 : memref<!tpu.dma_semaphore, #tpu.memory_space<semaphore_mem>>) src(%dma_wait3A_62 : memref<256x128xf32, #tpu.memory_space<hbm>>) dst(%arg6 : memref<256x128xf32, #tpu.memory_space<vmem>>)
      %mul3A_63 = arith.constant 256 : i32
      %mul3A_64 = arith.muli %mul3A_29, %mul3A_63 : i32
      %add3A_65 = arith.addi %mul3A_2, %mul3A_64 : i32
      "tpu.region"() ({
        %run_scoped3A = tpu.sem_alloc : memref<!tpu.dma_semaphore, #tpu.memory_space<semaphore_mem>>
        %dma_start3A_81 = arith.constant 0 : i32
        %dma_start3A_82 = arith.constant 0 : i32
        %dma_start3A_83 = tpu.memref_slice %arg6[%dma_start3A_81, %dma_start3A_82] : memref<256x128xf32, #tpu.memory_space<vmem>> -> memref<256x64xf32, #tpu.memory_space<vmem>>
        %dma_start3A_84 = arith.constant 0 : i32
        %dma_start3A_85 = tpu.memref_slice %arg4[%add3A_65, %dma_start3A_84] : memref<294912x128xf32, #tpu.memory_space<hbm>> -> memref<256x64xf32, #tpu.memory_space<hbm>>
        %dma_start3A_86 = arith.constant 0 : i32
        %dma_start3A_87 = tpu.memref_slice %arg4[%add3A_65, %dma_start3A_86] : memref<294912x128xf32, #tpu.memory_space<hbm>> -> memref<256x64xf32, #tpu.memory_space<hbm>>
        %dma_start3A_88 = arith.constant 0 : i32
        %dma_start3A_89 = arith.constant 0 : i32
        %dma_start3A_90 = tpu.memref_slice %arg6[%dma_start3A_88, %dma_start3A_89] : memref<256x128xf32, #tpu.memory_space<vmem>> -> memref<256x64xf32, #tpu.memory_space<vmem>>
        tpu.enqueue_dma source(%dma_start3A_90 : memref<256x64xf32, #tpu.memory_space<vmem>>) target(%dma_start3A_87 : memref<256x64xf32, #tpu.memory_space<hbm>>) target_semaphore(%run_scoped3A : memref<!tpu.dma_semaphore, #tpu.memory_space<semaphore_mem>>)
        %dma_wait3A_91 = arith.constant 0 : i32
        %dma_wait3A_92 = arith.constant 0 : i32
        %dma_wait3A_93 = tpu.memref_slice %arg6[%dma_wait3A_91, %dma_wait3A_92] : memref<256x128xf32, #tpu.memory_space<vmem>> -> memref<256x64xf32, #tpu.memory_space<vmem>>
        %dma_wait3A_94 = arith.constant 0 : i32
        %dma_wait3A_95 = tpu.memref_slice %arg4[%add3A_65, %dma_wait3A_94] : memref<294912x128xf32, #tpu.memory_space<hbm>> -> memref<256x64xf32, #tpu.memory_space<hbm>>
        %dma_wait3A_96 = arith.constant 0 : i32
        %dma_wait3A_97 = tpu.memref_slice %arg4[%add3A_65, %dma_wait3A_96] : memref<294912x128xf32, #tpu.memory_space<hbm>> -> memref<256x64xf32, #tpu.memory_space<hbm>>
        %dma_wait3A_98 = arith.constant 0 : i32
        %dma_wait3A_99 = arith.constant 0 : i32
        %dma_wait3A_100 = tpu.memref_slice %arg6[%dma_wait3A_98, %dma_wait3A_99] : memref<256x128xf32, #tpu.memory_space<vmem>> -> memref<256x64xf32, #tpu.memory_space<vmem>>
        tpu.wait_dma2 semaphore(%run_scoped3A : memref<!tpu.dma_semaphore, #tpu.memory_space<semaphore_mem>>) src(%dma_wait3A_100 : memref<256x64xf32, #tpu.memory_space<vmem>>) dst(%dma_wait3A_97 : memref<256x64xf32, #tpu.memory_space<hbm>>)
        tpu.yield
      }) : () -> ()
      %add3A_66 = arith.constant 2 : i32
      %add3A_67 = arith.addi %mul3A_29, %add3A_66 : i32
      %lt3A = arith.constant 36 : i32
      %lt3A_68 = arith.cmpi slt, %add3A_67, %lt3A : i32
      %convert_element_type3A = arith.extui %lt3A_68 : i1 to i32
      %cond3A = arith.constant 0 : i32
      %cond3A_69 = arith.cmpi ne, %convert_element_type3A, %cond3A : i32
      scf.if %cond3A_69 {
        %add3A_81 = arith.constant 2 : i32
        %add3A_82 = arith.addi %mul3A_29, %add3A_81 : i32
        %mul3A_83 = arith.constant 2 : i32
        %mul3A_84 = arith.muli %add3A_82, %mul3A_83 : i32
        %add3A_85 = arith.constant 0 : i32
        %add3A_86 = arith.addi %mul3A_84, %add3A_85 : i32
        %dma_start3A_87 = arith.constant 0 : i32
        %dma_start3A_88 = arith.constant 0 : i32
        %dma_start3A_89 = tpu.memref_slice %arg6[%dma_start3A_87, %dma_start3A_88] : memref<256x128xf32, #tpu.memory_space<vmem>> -> memref<128x128xf32, #tpu.memory_space<vmem>>
        %dma_start3A_90 = arith.constant 0 : i32
        %dma_start3A_91 = tpu.memref_slice %arg5[%add3A_86, %dma_start3A_90] : memref<72x128xi32, #tpu.memory_space<vmem>> -> memref<1x128xi32, #tpu.memory_space<vmem>>
        %dma_start3A_92 = tpu.memref_squeeze %dma_start3A_91 : memref<1x128xi32, #tpu.memory_space<vmem>> -> memref<128xi32, #tpu.memory_space<vmem>>
        %dma_start3A_93 = arith.constant 0 : i32
        %dma_start3A_94 = arith.constant 0 : i32
        %dma_start3A_95 = tpu.memref_slice %arg2[%dma_start3A_93, %dma_start3A_94] : memref<1000003x128xf32, #tpu.memory_space<hbm>> -> memref<1000003x128xf32, #tpu.memory_space<hbm>>
        tpu.enqueue_indirect_dma source(%dma_start3A_95 : memref<1000003x128xf32, #tpu.memory_space<hbm>>) target(%dma_start3A_89 : memref<128x128xf32, #tpu.memory_space<vmem>>) offsets(%dma_start3A_92 : memref<128xi32, #tpu.memory_space<vmem>>) semaphore(%arg8 : memref<!tpu.dma_semaphore, #tpu.memory_space<semaphore_mem>>)
        %mul3A_96 = arith.constant 2 : i32
        %mul3A_97 = arith.muli %add3A_82, %mul3A_96 : i32
        %add3A_98 = arith.constant 1 : i32
        %add3A_99 = arith.addi %mul3A_97, %add3A_98 : i32
        %dma_start3A_100 = arith.constant 128 : i32
        %dma_start3A_101 = arith.constant 0 : i32
        %dma_start3A_102 = tpu.memref_slice %arg6[%dma_start3A_100, %dma_start3A_101] : memref<256x128xf32, #tpu.memory_space<vmem>> -> memref<128x128xf32, #tpu.memory_space<vmem>>
        %dma_start3A_103 = arith.constant 0 : i32
        %dma_start3A_104 = tpu.memref_slice %arg5[%add3A_99, %dma_start3A_103] : memref<72x128xi32, #tpu.memory_space<vmem>> -> memref<1x128xi32, #tpu.memory_space<vmem>>
        %dma_start3A_105 = tpu.memref_squeeze %dma_start3A_104 : memref<1x128xi32, #tpu.memory_space<vmem>> -> memref<128xi32, #tpu.memory_space<vmem>>
        %dma_start3A_106 = arith.constant 0 : i32
        %dma_start3A_107 = arith.constant 0 : i32
        %dma_start3A_108 = tpu.memref_slice %arg2[%dma_start3A_106, %dma_start3A_107] : memref<1000003x128xf32, #tpu.memory_space<hbm>> -> memref<1000003x128xf32, #tpu.memory_space<hbm>>
        tpu.enqueue_indirect_dma source(%dma_start3A_108 : memref<1000003x128xf32, #tpu.memory_space<hbm>>) target(%dma_start3A_102 : memref<128x128xf32, #tpu.memory_space<vmem>>) offsets(%dma_start3A_105 : memref<128xi32, #tpu.memory_space<vmem>>) semaphore(%arg8 : memref<!tpu.dma_semaphore, #tpu.memory_space<semaphore_mem>>)
      } else {
      }
      %dma_wait3A_70 = arith.constant 0 : i32
      %dma_wait3A_71 = arith.constant 0 : i32
      %dma_wait3A_72 = tpu.memref_slice %arg2[%dma_wait3A_70, %dma_wait3A_71] : memref<1000003x128xf32, #tpu.memory_space<hbm>> -> memref<256x128xf32, #tpu.memory_space<hbm>>
      %dma_wait3A_73 = arith.constant 0 : i32
      %dma_wait3A_74 = arith.constant 0 : i32
      %dma_wait3A_75 = tpu.memref_slice %arg2[%dma_wait3A_73, %dma_wait3A_74] : memref<1000003x128xf32, #tpu.memory_space<hbm>> -> memref<256x128xf32, #tpu.memory_space<hbm>>
      tpu.wait_dma2 semaphore(%arg9 : memref<!tpu.dma_semaphore, #tpu.memory_space<semaphore_mem>>) src(%dma_wait3A_75 : memref<256x128xf32, #tpu.memory_space<hbm>>) dst(%arg7 : memref<256x128xf32, #tpu.memory_space<vmem>>)
      %add3A_76 = arith.constant 1 : i32
      %add3A_77 = arith.addi %mul3A_29, %add3A_76 : i32
      %mul3A_78 = arith.constant 256 : i32
      %mul3A_79 = arith.muli %add3A_77, %mul3A_78 : i32
      %add3A_80 = arith.addi %mul3A_2, %mul3A_79 : i32
      "tpu.region"() ({
        %run_scoped3A = tpu.sem_alloc : memref<!tpu.dma_semaphore, #tpu.memory_space<semaphore_mem>>
        %dma_start3A_81 = arith.constant 0 : i32
        %dma_start3A_82 = arith.constant 0 : i32
        %dma_start3A_83 = tpu.memref_slice %arg7[%dma_start3A_81, %dma_start3A_82] : memref<256x128xf32, #tpu.memory_space<vmem>> -> memref<256x64xf32, #tpu.memory_space<vmem>>
        %dma_start3A_84 = arith.constant 0 : i32
        %dma_start3A_85 = tpu.memref_slice %arg4[%add3A_80, %dma_start3A_84] : memref<294912x128xf32, #tpu.memory_space<hbm>> -> memref<256x64xf32, #tpu.memory_space<hbm>>
        %dma_start3A_86 = arith.constant 0 : i32
        %dma_start3A_87 = tpu.memref_slice %arg4[%add3A_80, %dma_start3A_86] : memref<294912x128xf32, #tpu.memory_space<hbm>> -> memref<256x64xf32, #tpu.memory_space<hbm>>
        %dma_start3A_88 = arith.constant 0 : i32
        %dma_start3A_89 = arith.constant 0 : i32
        %dma_start3A_90 = tpu.memref_slice %arg7[%dma_start3A_88, %dma_start3A_89] : memref<256x128xf32, #tpu.memory_space<vmem>> -> memref<256x64xf32, #tpu.memory_space<vmem>>
        tpu.enqueue_dma source(%dma_start3A_90 : memref<256x64xf32, #tpu.memory_space<vmem>>) target(%dma_start3A_87 : memref<256x64xf32, #tpu.memory_space<hbm>>) target_semaphore(%run_scoped3A : memref<!tpu.dma_semaphore, #tpu.memory_space<semaphore_mem>>)
        %dma_wait3A_91 = arith.constant 0 : i32
        %dma_wait3A_92 = arith.constant 0 : i32
        %dma_wait3A_93 = tpu.memref_slice %arg7[%dma_wait3A_91, %dma_wait3A_92] : memref<256x128xf32, #tpu.memory_space<vmem>> -> memref<256x64xf32, #tpu.memory_space<vmem>>
        %dma_wait3A_94 = arith.constant 0 : i32
        %dma_wait3A_95 = tpu.memref_slice %arg4[%add3A_80, %dma_wait3A_94] : memref<294912x128xf32, #tpu.memory_space<hbm>> -> memref<256x64xf32, #tpu.memory_space<hbm>>
        %dma_wait3A_96 = arith.constant 0 : i32
        %dma_wait3A_97 = tpu.memref_slice %arg4[%add3A_80, %dma_wait3A_96] : memref<294912x128xf32, #tpu.memory_space<hbm>> -> memref<256x64xf32, #tpu.memory_space<hbm>>
        %dma_wait3A_98 = arith.constant 0 : i32
        %dma_wait3A_99 = arith.constant 0 : i32
        %dma_wait3A_100 = tpu.memref_slice %arg7[%dma_wait3A_98, %dma_wait3A_99] : memref<256x128xf32, #tpu.memory_space<vmem>> -> memref<256x64xf32, #tpu.memory_space<vmem>>
        tpu.wait_dma2 semaphore(%run_scoped3A : memref<!tpu.dma_semaphore, #tpu.memory_space<semaphore_mem>>) src(%dma_wait3A_100 : memref<256x64xf32, #tpu.memory_space<vmem>>) dst(%dma_wait3A_97 : memref<256x64xf32, #tpu.memory_space<hbm>>)
        tpu.yield
      }) : () -> ()
    }
    %scan3A_26 = arith.constant 18 : i32
    return
  }
}

module attributes {stable_mosaic.version = 14 : i64} {
  func.func @body(%arg0: i32, %arg1: memref<64x13312xf32, #tpu.memory_space<vmem>>, %arg2: memref<13312x128xf32, #tpu.memory_space<vmem>>) attributes {dimension_semantics = [#tpu.dimension_semantics<arbitrary>], iteration_bounds = array<i64: 76>, scalar_prefetch = 0 : i64, scratch_operands = 0 : i64, tpu.core_type = #tpu.core_type<tc>, window_params = [{transform_indices = @transform_0, window_bounds = array<i64: 64, 13312>}, {transform_indices = @transform_1, window_bounds = array<i64: 13312, 128>}]} {
    %get3A = arith.constant 0 : index
    %get3A_0 = arith.constant 0 : index
    %get3A_1 = vector.load %arg1[%get3A, %get3A_0] : memref<64x13312xf32, #tpu.memory_space<vmem>>, vector<64x13312xf32>
    %transpose3A = tpu.transpose %get3A_1, [1, 0] : vector<64x13312xf32> -> vector<13312x64xf32>
    %swap3A = arith.constant 0 : index
    %swap3A_2 = arith.constant 0 : index
    %swap3A_3 = vector.load %arg2[%swap3A, %swap3A_2] : memref<13312x128xf32, #tpu.memory_space<vmem>>, vector<13312x64xf32>
    tpu.vector_store %arg2[%swap3A, %swap3A_2], %transpose3A {strides = array<i32>} : memref<13312x128xf32, #tpu.memory_space<vmem>>, vector<13312x64xf32>,
    return
  }
  func.func @transform_0(%arg0: i32) -> (i32, i32) {
    %c0_i32 = arith.constant 0 : i32
    %c0_i32_0 = arith.constant 0 : i32
    return %c0_i32, %arg0 : i32, i32
  }
  func.func @transform_1(%arg0: i32) -> (i32, i32) {
    %c0_i32 = arith.constant 0 : i32
    %c0_i32_0 = arith.constant 0 : i32
    return %arg0, %c0_i32 : i32, i32
  }
}

module attributes {stable_mosaic.version = 14 : i64} {
  func.func @body(%arg0: memref<48x64xf32, #tpu.memory_space<vmem>>, %arg1: memref<40x64xf32, #tpu.memory_space<vmem>>, %arg2: memref<1920x100xf32, #tpu.memory_space<vmem>>, %arg3: memref<1440x100xbf16, #tpu.memory_space<vmem>>) attributes {dimension_semantics = [], scalar_prefetch = 0 : i64, scratch_operands = 0 : i64, tpu.core_type = #tpu.core_type<tc>} {
    %get3A = arith.constant 0 : index
    %get3A_0 = arith.constant 0 : index
    %get3A_1 = vector.load %arg0[%get3A, %get3A_0] : memref<48x64xf32, #tpu.memory_space<vmem>>, vector<48x64xf32>
    %get3A_2 = arith.constant 0 : index
    %get3A_3 = arith.constant 0 : index
    %get3A_4 = vector.load %arg2[%get3A_2, %get3A_3] : memref<1920x100xf32, #tpu.memory_space<vmem>>, vector<64x100xf32>
    %dot_general3A = arith.constant dense<0.000000e+00> : vector<48x100xf32>
    %dot_general3A_5 = tpu.matmul %get3A_1, %get3A_4, %dot_general3A {dimension_numbers = #tpu.dot_dimension_numbers<[1], [0], [0], [1], [0, 0, 1, 1], [], []>, transpose_lhs_hint = false} : vector<48x64xf32>, vector<64x100xf32>, vector<48x100xf32> -> vector<48x100xf32>
    %convert_element_type3A = arith.truncf %dot_general3A_5 : vector<48x100xf32> to vector<48x100xbf16>
    %swap3A = arith.constant 0 : index
    %swap3A_6 = arith.constant 0 : index
    %swap3A_7 = vector.load %arg3[%swap3A, %swap3A_6] : memref<1440x100xbf16, #tpu.memory_space<vmem>>, vector<48x100xbf16>
    tpu.vector_store %arg3[%swap3A, %swap3A_6], %convert_element_type3A {strides = array<i32>} : memref<1440x100xbf16, #tpu.memory_space<vmem>>, vector<48x100xbf16>,
    %get3A_8 = arith.constant 0 : index
    %get3A_9 = arith.constant 0 : index
    %get3A_10 = vector.load %arg0[%get3A_8, %get3A_9] : memref<48x64xf32, #tpu.memory_space<vmem>>, vector<48x64xf32>
    %get3A_11 = arith.constant 64 : index
    %get3A_12 = arith.constant 0 : index
    %get3A_13 = vector.load %arg2[%get3A_11, %get3A_12] : memref<1920x100xf32, #tpu.memory_space<vmem>>, vector<64x100xf32>
    %dot_general3A_14 = arith.constant dense<0.000000e+00> : vector<48x100xf32>
    %dot_general3A_15 = tpu.matmul %get3A_10, %get3A_13, %dot_general3A_14 {dimension_numbers = #tpu.dot_dimension_numbers<[1], [0], [0], [1], [0, 0, 1, 1], [], []>, transpose_lhs_hint = false} : vector<48x64xf32>, vector<64x100xf32>, vector<48x100xf32> -> vector<48x100xf32>
    %convert_element_type3A_16 = arith.truncf %dot_general3A_15 : vector<48x100xf32> to vector<48x100xbf16>
    %swap3A_17 = arith.constant 48 : index
    %swap3A_18 = arith.constant 0 : index
    %swap3A_19 = vector.load %arg3[%swap3A_17, %swap3A_18] : memref<1440x100xbf16, #tpu.memory_space<vmem>>, vector<48x100xbf16>
    tpu.vector_store %arg3[%swap3A_17, %swap3A_18], %convert_element_type3A_16 {strides = array<i32>} : memref<1440x100xbf16, #tpu.memory_space<vmem>>, vector<48x100xbf16>,
    %get3A_20 = arith.constant 0 : index
    %get3A_21 = arith.constant 0 : index
    %get3A_22 = vector.load %arg0[%get3A_20, %get3A_21] : memref<48x64xf32, #tpu.memory_space<vmem>>, vector<48x64xf32>
    %get3A_23 = arith.constant 128 : index
    %get3A_24 = arith.constant 0 : index
    %get3A_25 = vector.load %arg2[%get3A_23, %get3A_24] : memref<1920x100xf32, #tpu.memory_space<vmem>>, vector<64x100xf32>
    %dot_general3A_26 = arith.constant dense<0.000000e+00> : vector<48x100xf32>
    %dot_general3A_27 = tpu.matmul %get3A_22, %get3A_25, %dot_general3A_26 {dimension_numbers = #tpu.dot_dimension_numbers<[1], [0], [0], [1], [0, 0, 1, 1], [], []>, transpose_lhs_hint = false} : vector<48x64xf32>, vector<64x100xf32>, vector<48x100xf32> -> vector<48x100xf32>
    %convert_element_type3A_28 = arith.truncf %dot_general3A_27 : vector<48x100xf32> to vector<48x100xbf16>
    %swap3A_29 = arith.constant 96 : index
    %swap3A_30 = arith.constant 0 : index
    %swap3A_31 = vector.load %arg3[%swap3A_29, %swap3A_30] : memref<1440x100xbf16, #tpu.memory_space<vmem>>, vector<48x100xbf16>
    tpu.vector_store %arg3[%swap3A_29, %swap3A_30], %convert_element_type3A_28 {strides = array<i32>} : memref<1440x100xbf16, #tpu.memory_space<vmem>>, vector<48x100xbf16>,
    %get3A_32 = arith.constant 0 : index
    %get3A_33 = arith.constant 0 : index
    %get3A_34 = vector.load %arg0[%get3A_32, %get3A_33] : memref<48x64xf32, #tpu.memory_space<vmem>>, vector<48x64xf32>
    %get3A_35 = arith.constant 192 : index
    %get3A_36 = arith.constant 0 : index
    %get3A_37 = vector.load %arg2[%get3A_35, %get3A_36] : memref<1920x100xf32, #tpu.memory_space<vmem>>, vector<64x100xf32>
    %dot_general3A_38 = arith.constant dense<0.000000e+00> : vector<48x100xf32>
    %dot_general3A_39 = tpu.matmul %get3A_34, %get3A_37, %dot_general3A_38 {dimension_numbers = #tpu.dot_dimension_numbers<[1], [0], [0], [1], [0, 0, 1, 1], [], []>, transpose_lhs_hint = false} : vector<48x64xf32>, vector<64x100xf32>, vector<48x100xf32> -> vector<48x100xf32>
    %convert_element_type3A_40 = arith.truncf %dot_general3A_39 : vector<48x100xf32> to vector<48x100xbf16>
    %swap3A_41 = arith.constant 144 : index
    %swap3A_42 = arith.constant 0 : index
    %swap3A_43 = vector.load %arg3[%swap3A_41, %swap3A_42] : memref<1440x100xbf16, #tpu.memory_space<vmem>>, vector<48x100xbf16>
    tpu.vector_store %arg3[%swap3A_41, %swap3A_42], %convert_element_type3A_40 {strides = array<i32>} : memref<1440x100xbf16, #tpu.memory_space<vmem>>, vector<48x100xbf16>,
    %get3A_44 = arith.constant 0 : index
    %get3A_45 = arith.constant 0 : index
    %get3A_46 = vector.load %arg0[%get3A_44, %get3A_45] : memref<48x64xf32, #tpu.memory_space<vmem>>, vector<48x64xf32>
    %get3A_47 = arith.constant 256 : index
    %get3A_48 = arith.constant 0 : index
    %get3A_49 = vector.load %arg2[%get3A_47, %get3A_48] : memref<1920x100xf32, #tpu.memory_space<vmem>>, vector<64x100xf32>
    %dot_general3A_50 = arith.constant dense<0.000000e+00> : vector<48x100xf32>
    %dot_general3A_51 = tpu.matmul %get3A_46, %get3A_49, %dot_general3A_50 {dimension_numbers = #tpu.dot_dimension_numbers<[1], [0], [0], [1], [0, 0, 1, 1], [], []>, transpose_lhs_hint = false} : vector<48x64xf32>, vector<64x100xf32>, vector<48x100xf32> -> vector<48x100xf32>
    %convert_element_type3A_52 = arith.truncf %dot_general3A_51 : vector<48x100xf32> to vector<48x100xbf16>
    %swap3A_53 = arith.constant 192 : index
    %swap3A_54 = arith.constant 0 : index
    %swap3A_55 = vector.load %arg3[%swap3A_53, %swap3A_54] : memref<1440x100xbf16, #tpu.memory_space<vmem>>, vector<48x100xbf16>
    tpu.vector_store %arg3[%swap3A_53, %swap3A_54], %convert_element_type3A_52 {strides = array<i32>} : memref<1440x100xbf16, #tpu.memory_space<vmem>>, vector<48x100xbf16>,
    %get3A_56 = arith.constant 0 : index
    %get3A_57 = arith.constant 0 : index
    %get3A_58 = vector.load %arg0[%get3A_56, %get3A_57] : memref<48x64xf32, #tpu.memory_space<vmem>>, vector<48x64xf32>
    %get3A_59 = arith.constant 320 : index
    %get3A_60 = arith.constant 0 : index
    %get3A_61 = vector.load %arg2[%get3A_59, %get3A_60] : memref<1920x100xf32, #tpu.memory_space<vmem>>, vector<64x100xf32>
    %dot_general3A_62 = arith.constant dense<0.000000e+00> : vector<48x100xf32>
    %dot_general3A_63 = tpu.matmul %get3A_58, %get3A_61, %dot_general3A_62 {dimension_numbers = #tpu.dot_dimension_numbers<[1], [0], [0], [1], [0, 0, 1, 1], [], []>, transpose_lhs_hint = false} : vector<48x64xf32>, vector<64x100xf32>, vector<48x100xf32> -> vector<48x100xf32>
    %convert_element_type3A_64 = arith.truncf %dot_general3A_63 : vector<48x100xf32> to vector<48x100xbf16>
    %swap3A_65 = arith.constant 240 : index
    %swap3A_66 = arith.constant 0 : index
    %swap3A_67 = vector.load %arg3[%swap3A_65, %swap3A_66] : memref<1440x100xbf16, #tpu.memory_space<vmem>>, vector<48x100xbf16>
    tpu.vector_store %arg3[%swap3A_65, %swap3A_66], %convert_element_type3A_64 {strides = array<i32>} : memref<1440x100xbf16, #tpu.memory_space<vmem>>, vector<48x100xbf16>,
    %get3A_68 = arith.constant 0 : index
    %get3A_69 = arith.constant 0 : index
    %get3A_70 = vector.load %arg0[%get3A_68, %get3A_69] : memref<48x64xf32, #tpu.memory_space<vmem>>, vector<48x64xf32>
    %get3A_71 = arith.constant 384 : index
    %get3A_72 = arith.constant 0 : index
    %get3A_73 = vector.load %arg2[%get3A_71, %get3A_72] : memref<1920x100xf32, #tpu.memory_space<vmem>>, vector<64x100xf32>
    %dot_general3A_74 = arith.constant dense<0.000000e+00> : vector<48x100xf32>
    %dot_general3A_75 = tpu.matmul %get3A_70, %get3A_73, %dot_general3A_74 {dimension_numbers = #tpu.dot_dimension_numbers<[1], [0], [0], [1], [0, 0, 1, 1], [], []>, transpose_lhs_hint = false} : vector<48x64xf32>, vector<64x100xf32>, vector<48x100xf32> -> vector<48x100xf32>
    %convert_element_type3A_76 = arith.truncf %dot_general3A_75 : vector<48x100xf32> to vector<48x100xbf16>
    %swap3A_77 = arith.constant 288 : index
    %swap3A_78 = arith.constant 0 : index
    %swap3A_79 = vector.load %arg3[%swap3A_77, %swap3A_78] : memref<1440x100xbf16, #tpu.memory_space<vmem>>, vector<48x100xbf16>
    tpu.vector_store %arg3[%swap3A_77, %swap3A_78], %convert_element_type3A_76 {strides = array<i32>} : memref<1440x100xbf16, #tpu.memory_space<vmem>>, vector<48x100xbf16>,
    %get3A_80 = arith.constant 0 : index
    %get3A_81 = arith.constant 0 : index
    %get3A_82 = vector.load %arg0[%get3A_80, %get3A_81] : memref<48x64xf32, #tpu.memory_space<vmem>>, vector<48x64xf32>
    %get3A_83 = arith.constant 448 : index
    %get3A_84 = arith.constant 0 : index
    %get3A_85 = vector.load %arg2[%get3A_83, %get3A_84] : memref<1920x100xf32, #tpu.memory_space<vmem>>, vector<64x100xf32>
    %dot_general3A_86 = arith.constant dense<0.000000e+00> : vector<48x100xf32>
    %dot_general3A_87 = tpu.matmul %get3A_82, %get3A_85, %dot_general3A_86 {dimension_numbers = #tpu.dot_dimension_numbers<[1], [0], [0], [1], [0, 0, 1, 1], [], []>, transpose_lhs_hint = false} : vector<48x64xf32>, vector<64x100xf32>, vector<48x100xf32> -> vector<48x100xf32>
    %convert_element_type3A_88 = arith.truncf %dot_general3A_87 : vector<48x100xf32> to vector<48x100xbf16>
    %swap3A_89 = arith.constant 336 : index
    %swap3A_90 = arith.constant 0 : index
    %swap3A_91 = vector.load %arg3[%swap3A_89, %swap3A_90] : memref<1440x100xbf16, #tpu.memory_space<vmem>>, vector<48x100xbf16>
    tpu.vector_store %arg3[%swap3A_89, %swap3A_90], %convert_element_type3A_88 {strides = array<i32>} : memref<1440x100xbf16, #tpu.memory_space<vmem>>, vector<48x100xbf16>,
    %get3A_92 = arith.constant 0 : index
    %get3A_93 = arith.constant 0 : index
    %get3A_94 = vector.load %arg0[%get3A_92, %get3A_93] : memref<48x64xf32, #tpu.memory_space<vmem>>, vector<48x64xf32>
    %get3A_95 = arith.constant 512 : index
    %get3A_96 = arith.constant 0 : index
    %get3A_97 = vector.load %arg2[%get3A_95, %get3A_96] : memref<1920x100xf32, #tpu.memory_space<vmem>>, vector<64x100xf32>
    %dot_general3A_98 = arith.constant dense<0.000000e+00> : vector<48x100xf32>
    %dot_general3A_99 = tpu.matmul %get3A_94, %get3A_97, %dot_general3A_98 {dimension_numbers = #tpu.dot_dimension_numbers<[1], [0], [0], [1], [0, 0, 1, 1], [], []>, transpose_lhs_hint = false} : vector<48x64xf32>, vector<64x100xf32>, vector<48x100xf32> -> vector<48x100xf32>
    %convert_element_type3A_100 = arith.truncf %dot_general3A_99 : vector<48x100xf32> to vector<48x100xbf16>
    %swap3A_101 = arith.constant 384 : index
    %swap3A_102 = arith.constant 0 : index
    %swap3A_103 = vector.load %arg3[%swap3A_101, %swap3A_102] : memref<1440x100xbf16, #tpu.memory_space<vmem>>, vector<48x100xbf16>
    tpu.vector_store %arg3[%swap3A_101, %swap3A_102], %convert_element_type3A_100 {strides = array<i32>} : memref<1440x100xbf16, #tpu.memory_space<vmem>>, vector<48x100xbf16>,
    %get3A_104 = arith.constant 0 : index
    %get3A_105 = arith.constant 0 : index
    %get3A_106 = vector.load %arg0[%get3A_104, %get3A_105] : memref<48x64xf32, #tpu.memory_space<vmem>>, vector<48x64xf32>
    %get3A_107 = arith.constant 576 : index
    %get3A_108 = arith.constant 0 : index
    %get3A_109 = vector.load %arg2[%get3A_107, %get3A_108] : memref<1920x100xf32, #tpu.memory_space<vmem>>, vector<64x100xf32>
    %dot_general3A_110 = arith.constant dense<0.000000e+00> : vector<48x100xf32>
    %dot_general3A_111 = tpu.matmul %get3A_106, %get3A_109, %dot_general3A_110 {dimension_numbers = #tpu.dot_dimension_numbers<[1], [0], [0], [1], [0, 0, 1, 1], [], []>, transpose_lhs_hint = false} : vector<48x64xf32>, vector<64x100xf32>, vector<48x100xf32> -> vector<48x100xf32>
    %convert_element_type3A_112 = arith.truncf %dot_general3A_111 : vector<48x100xf32> to vector<48x100xbf16>
    %swap3A_113 = arith.constant 432 : index
    %swap3A_114 = arith.constant 0 : index
    %swap3A_115 = vector.load %arg3[%swap3A_113, %swap3A_114] : memref<1440x100xbf16, #tpu.memory_space<vmem>>, vector<48x100xbf16>
    tpu.vector_store %arg3[%swap3A_113, %swap3A_114], %convert_element_type3A_112 {strides = array<i32>} : memref<1440x100xbf16, #tpu.memory_space<vmem>>, vector<48x100xbf16>,
    %get3A_116 = arith.constant 0 : index
    %get3A_117 = arith.constant 0 : index
    %get3A_118 = vector.load %arg0[%get3A_116, %get3A_117] : memref<48x64xf32, #tpu.memory_space<vmem>>, vector<48x64xf32>
    %get3A_119 = arith.constant 640 : index
    %get3A_120 = arith.constant 0 : index
    %get3A_121 = vector.load %arg2[%get3A_119, %get3A_120] : memref<1920x100xf32, #tpu.memory_space<vmem>>, vector<64x100xf32>
    %dot_general3A_122 = arith.constant dense<0.000000e+00> : vector<48x100xf32>
    %dot_general3A_123 = tpu.matmul %get3A_118, %get3A_121, %dot_general3A_122 {dimension_numbers = #tpu.dot_dimension_numbers<[1], [0], [0], [1], [0, 0, 1, 1], [], []>, transpose_lhs_hint = false} : vector<48x64xf32>, vector<64x100xf32>, vector<48x100xf32> -> vector<48x100xf32>
    %convert_element_type3A_124 = arith.truncf %dot_general3A_123 : vector<48x100xf32> to vector<48x100xbf16>
    %swap3A_125 = arith.constant 480 : index
    %swap3A_126 = arith.constant 0 : index
    %swap3A_127 = vector.load %arg3[%swap3A_125, %swap3A_126] : memref<1440x100xbf16, #tpu.memory_space<vmem>>, vector<48x100xbf16>
    tpu.vector_store %arg3[%swap3A_125, %swap3A_126], %convert_element_type3A_124 {strides = array<i32>} : memref<1440x100xbf16, #tpu.memory_space<vmem>>, vector<48x100xbf16>,
    %get3A_128 = arith.constant 0 : index
    %get3A_129 = arith.constant 0 : index
    %get3A_130 = vector.load %arg0[%get3A_128, %get3A_129] : memref<48x64xf32, #tpu.memory_space<vmem>>, vector<48x64xf32>
    %get3A_131 = arith.constant 704 : index
    %get3A_132 = arith.constant 0 : index
    %get3A_133 = vector.load %arg2[%get3A_131, %get3A_132] : memref<1920x100xf32, #tpu.memory_space<vmem>>, vector<64x100xf32>
    %dot_general3A_134 = arith.constant dense<0.000000e+00> : vector<48x100xf32>
    %dot_general3A_135 = tpu.matmul %get3A_130, %get3A_133, %dot_general3A_134 {dimension_numbers = #tpu.dot_dimension_numbers<[1], [0], [0], [1], [0, 0, 1, 1], [], []>, transpose_lhs_hint = false} : vector<48x64xf32>, vector<64x100xf32>, vector<48x100xf32> -> vector<48x100xf32>
    %convert_element_type3A_136 = arith.truncf %dot_general3A_135 : vector<48x100xf32> to vector<48x100xbf16>
    %swap3A_137 = arith.constant 528 : index
    %swap3A_138 = arith.constant 0 : index
    %swap3A_139 = vector.load %arg3[%swap3A_137, %swap3A_138] : memref<1440x100xbf16, #tpu.memory_space<vmem>>, vector<48x100xbf16>
    tpu.vector_store %arg3[%swap3A_137, %swap3A_138], %convert_element_type3A_136 {strides = array<i32>} : memref<1440x100xbf16, #tpu.memory_space<vmem>>, vector<48x100xbf16>,
    %get3A_140 = arith.constant 0 : index
    %get3A_141 = arith.constant 0 : index
    %get3A_142 = vector.load %arg0[%get3A_140, %get3A_141] : memref<48x64xf32, #tpu.memory_space<vmem>>, vector<48x64xf32>
    %get3A_143 = arith.constant 768 : index
    %get3A_144 = arith.constant 0 : index
    %get3A_145 = vector.load %arg2[%get3A_143, %get3A_144] : memref<1920x100xf32, #tpu.memory_space<vmem>>, vector<64x100xf32>
    %dot_general3A_146 = arith.constant dense<0.000000e+00> : vector<48x100xf32>
    %dot_general3A_147 = tpu.matmul %get3A_142, %get3A_145, %dot_general3A_146 {dimension_numbers = #tpu.dot_dimension_numbers<[1], [0], [0], [1], [0, 0, 1, 1], [], []>, transpose_lhs_hint = false} : vector<48x64xf32>, vector<64x100xf32>, vector<48x100xf32> -> vector<48x100xf32>
    %convert_element_type3A_148 = arith.truncf %dot_general3A_147 : vector<48x100xf32> to vector<48x100xbf16>
    %swap3A_149 = arith.constant 576 : index
    %swap3A_150 = arith.constant 0 : index
    %swap3A_151 = vector.load %arg3[%swap3A_149, %swap3A_150] : memref<1440x100xbf16, #tpu.memory_space<vmem>>, vector<48x100xbf16>
    tpu.vector_store %arg3[%swap3A_149, %swap3A_150], %convert_element_type3A_148 {strides = array<i32>} : memref<1440x100xbf16, #tpu.memory_space<vmem>>, vector<48x100xbf16>,
    %get3A_152 = arith.constant 0 : index
    %get3A_153 = arith.constant 0 : index
    %get3A_154 = vector.load %arg0[%get3A_152, %get3A_153] : memref<48x64xf32, #tpu.memory_space<vmem>>, vector<48x64xf32>
    %get3A_155 = arith.constant 832 : index
    %get3A_156 = arith.constant 0 : index
    %get3A_157 = vector.load %arg2[%get3A_155, %get3A_156] : memref<1920x100xf32, #tpu.memory_space<vmem>>, vector<64x100xf32>
    %dot_general3A_158 = arith.constant dense<0.000000e+00> : vector<48x100xf32>
    %dot_general3A_159 = tpu.matmul %get3A_154, %get3A_157, %dot_general3A_158 {dimension_numbers = #tpu.dot_dimension_numbers<[1], [0], [0], [1], [0, 0, 1, 1], [], []>, transpose_lhs_hint = false} : vector<48x64xf32>, vector<64x100xf32>, vector<48x100xf32> -> vector<48x100xf32>
    %convert_element_type3A_160 = arith.truncf %dot_general3A_159 : vector<48x100xf32> to vector<48x100xbf16>
    %swap3A_161 = arith.constant 624 : index
    %swap3A_162 = arith.constant 0 : index
    %swap3A_163 = vector.load %arg3[%swap3A_161, %swap3A_162] : memref<1440x100xbf16, #tpu.memory_space<vmem>>, vector<48x100xbf16>
    tpu.vector_store %arg3[%swap3A_161, %swap3A_162], %convert_element_type3A_160 {strides = array<i32>} : memref<1440x100xbf16, #tpu.memory_space<vmem>>, vector<48x100xbf16>,
    %get3A_164 = arith.constant 0 : index
    %get3A_165 = arith.constant 0 : index
    %get3A_166 = vector.load %arg0[%get3A_164, %get3A_165] : memref<48x64xf32, #tpu.memory_space<vmem>>, vector<48x64xf32>
    %get3A_167 = arith.constant 896 : index
    %get3A_168 = arith.constant 0 : index
    %get3A_169 = vector.load %arg2[%get3A_167, %get3A_168] : memref<1920x100xf32, #tpu.memory_space<vmem>>, vector<64x100xf32>
    %dot_general3A_170 = arith.constant dense<0.000000e+00> : vector<48x100xf32>
    %dot_general3A_171 = tpu.matmul %get3A_166, %get3A_169, %dot_general3A_170 {dimension_numbers = #tpu.dot_dimension_numbers<[1], [0], [0], [1], [0, 0, 1, 1], [], []>, transpose_lhs_hint = false} : vector<48x64xf32>, vector<64x100xf32>, vector<48x100xf32> -> vector<48x100xf32>
    %convert_element_type3A_172 = arith.truncf %dot_general3A_171 : vector<48x100xf32> to vector<48x100xbf16>
    %swap3A_173 = arith.constant 672 : index
    %swap3A_174 = arith.constant 0 : index
    %swap3A_175 = vector.load %arg3[%swap3A_173, %swap3A_174] : memref<1440x100xbf16, #tpu.memory_space<vmem>>, vector<48x100xbf16>
    tpu.vector_store %arg3[%swap3A_173, %swap3A_174], %convert_element_type3A_172 {strides = array<i32>} : memref<1440x100xbf16, #tpu.memory_space<vmem>>, vector<48x100xbf16>,
    %get3A_176 = arith.constant 0 : index
    %get3A_177 = arith.constant 0 : index
    %get3A_178 = vector.load %arg0[%get3A_176, %get3A_177] : memref<48x64xf32, #tpu.memory_space<vmem>>, vector<48x64xf32>
    %get3A_179 = arith.constant 960 : index
    %get3A_180 = arith.constant 0 : index
    %get3A_181 = vector.load %arg2[%get3A_179, %get3A_180] : memref<1920x100xf32, #tpu.memory_space<vmem>>, vector<64x100xf32>
    %dot_general3A_182 = arith.constant dense<0.000000e+00> : vector<48x100xf32>
    %dot_general3A_183 = tpu.matmul %get3A_178, %get3A_181, %dot_general3A_182 {dimension_numbers = #tpu.dot_dimension_numbers<[1], [0], [0], [1], [0, 0, 1, 1], [], []>, transpose_lhs_hint = false} : vector<48x64xf32>, vector<64x100xf32>, vector<48x100xf32> -> vector<48x100xf32>
    %convert_element_type3A_184 = arith.truncf %dot_general3A_183 : vector<48x100xf32> to vector<48x100xbf16>
    %swap3A_185 = arith.constant 720 : index
    %swap3A_186 = arith.constant 0 : index
    %swap3A_187 = vector.load %arg3[%swap3A_185, %swap3A_186] : memref<1440x100xbf16, #tpu.memory_space<vmem>>, vector<48x100xbf16>
    tpu.vector_store %arg3[%swap3A_185, %swap3A_186], %convert_element_type3A_184 {strides = array<i32>} : memref<1440x100xbf16, #tpu.memory_space<vmem>>, vector<48x100xbf16>,
    %get3A_188 = arith.constant 0 : index
    %get3A_189 = arith.constant 0 : index
    %get3A_190 = vector.load %arg0[%get3A_188, %get3A_189] : memref<48x64xf32, #tpu.memory_space<vmem>>, vector<48x64xf32>
    %get3A_191 = arith.constant 1024 : index
    %get3A_192 = arith.constant 0 : index
    %get3A_193 = vector.load %arg2[%get3A_191, %get3A_192] : memref<1920x100xf32, #tpu.memory_space<vmem>>, vector<64x100xf32>
    %dot_general3A_194 = arith.constant dense<0.000000e+00> : vector<48x100xf32>
    %dot_general3A_195 = tpu.matmul %get3A_190, %get3A_193, %dot_general3A_194 {dimension_numbers = #tpu.dot_dimension_numbers<[1], [0], [0], [1], [0, 0, 1, 1], [], []>, transpose_lhs_hint = false} : vector<48x64xf32>, vector<64x100xf32>, vector<48x100xf32> -> vector<48x100xf32>
    %convert_element_type3A_196 = arith.truncf %dot_general3A_195 : vector<48x100xf32> to vector<48x100xbf16>
    %swap3A_197 = arith.constant 768 : index
    %swap3A_198 = arith.constant 0 : index
    %swap3A_199 = vector.load %arg3[%swap3A_197, %swap3A_198] : memref<1440x100xbf16, #tpu.memory_space<vmem>>, vector<48x100xbf16>
    tpu.vector_store %arg3[%swap3A_197, %swap3A_198], %convert_element_type3A_196 {strides = array<i32>} : memref<1440x100xbf16, #tpu.memory_space<vmem>>, vector<48x100xbf16>,
    %get3A_200 = arith.constant 0 : index
    %get3A_201 = arith.constant 0 : index
    %get3A_202 = vector.load %arg0[%get3A_200, %get3A_201] : memref<48x64xf32, #tpu.memory_space<vmem>>, vector<48x64xf32>
    %get3A_203 = arith.constant 1088 : index
    %get3A_204 = arith.constant 0 : index
    %get3A_205 = vector.load %arg2[%get3A_203, %get3A_204] : memref<1920x100xf32, #tpu.memory_space<vmem>>, vector<64x100xf32>
    %dot_general3A_206 = arith.constant dense<0.000000e+00> : vector<48x100xf32>
    %dot_general3A_207 = tpu.matmul %get3A_202, %get3A_205, %dot_general3A_206 {dimension_numbers = #tpu.dot_dimension_numbers<[1], [0], [0], [1], [0, 0, 1, 1], [], []>, transpose_lhs_hint = false} : vector<48x64xf32>, vector<64x100xf32>, vector<48x100xf32> -> vector<48x100xf32>
    %convert_element_type3A_208 = arith.truncf %dot_general3A_207 : vector<48x100xf32> to vector<48x100xbf16>
    %swap3A_209 = arith.constant 816 : index
    %swap3A_210 = arith.constant 0 : index
    %swap3A_211 = vector.load %arg3[%swap3A_209, %swap3A_210] : memref<1440x100xbf16, #tpu.memory_space<vmem>>, vector<48x100xbf16>
    tpu.vector_store %arg3[%swap3A_209, %swap3A_210], %convert_element_type3A_208 {strides = array<i32>} : memref<1440x100xbf16, #tpu.memory_space<vmem>>, vector<48x100xbf16>,
    %get3A_212 = arith.constant 0 : index
    %get3A_213 = arith.constant 0 : index
    %get3A_214 = vector.load %arg1[%get3A_212, %get3A_213] : memref<40x64xf32, #tpu.memory_space<vmem>>, vector<40x64xf32>
    %get3A_215 = arith.constant 1152 : index
    %get3A_216 = arith.constant 0 : index
    %get3A_217 = vector.load %arg2[%get3A_215, %get3A_216] : memref<1920x100xf32, #tpu.memory_space<vmem>>, vector<64x100xf32>
    %dot_general3A_218 = arith.constant dense<0.000000e+00> : vector<40x100xf32>
    %dot_general3A_219 = tpu.matmul %get3A_214, %get3A_217, %dot_general3A_218 {dimension_numbers = #tpu.dot_dimension_numbers<[1], [0], [0], [1], [0, 0, 1, 1], [], []>, transpose_lhs_hint = false} : vector<40x64xf32>, vector<64x100xf32>, vector<40x100xf32> -> vector<40x100xf32>
    %convert_element_type3A_220 = arith.truncf %dot_general3A_219 : vector<40x100xf32> to vector<40x100xbf16>
    %swap3A_221 = arith.constant 864 : index
    %swap3A_222 = arith.constant 0 : index
    %swap3A_223 = vector.load %arg3[%swap3A_221, %swap3A_222] : memref<1440x100xbf16, #tpu.memory_space<vmem>>, vector<40x100xbf16>
    tpu.vector_store %arg3[%swap3A_221, %swap3A_222], %convert_element_type3A_220 {strides = array<i32>} : memref<1440x100xbf16, #tpu.memory_space<vmem>>, vector<40x100xbf16>,
    %broadcast_in_dim3A = arith.constant 0.000000e+00 : bf16
    %broadcast_in_dim3A_224 = vector.broadcast %broadcast_in_dim3A : bf16 to vector<8x100xbf16>
    %swap3A_225 = arith.constant 904 : index
    %swap3A_226 = arith.constant 0 : index
    %swap3A_227 = vector.load %arg3[%swap3A_225, %swap3A_226] : memref<1440x100xbf16, #tpu.memory_space<vmem>>, vector<8x100xbf16>
    tpu.vector_store %arg3[%swap3A_225, %swap3A_226], %broadcast_in_dim3A_224 {strides = array<i32>} : memref<1440x100xbf16, #tpu.memory_space<vmem>>, vector<8x100xbf16>,
    %get3A_228 = arith.constant 0 : index
    %get3A_229 = arith.constant 0 : index
    %get3A_230 = vector.load %arg1[%get3A_228, %get3A_229] : memref<40x64xf32, #tpu.memory_space<vmem>>, vector<40x64xf32>
    %get3A_231 = arith.constant 1216 : index
    %get3A_232 = arith.constant 0 : index
    %get3A_233 = vector.load %arg2[%get3A_231, %get3A_232] : memref<1920x100xf32, #tpu.memory_space<vmem>>, vector<64x100xf32>
    %dot_general3A_234 = arith.constant dense<0.000000e+00> : vector<40x100xf32>
    %dot_general3A_235 = tpu.matmul %get3A_230, %get3A_233, %dot_general3A_234 {dimension_numbers = #tpu.dot_dimension_numbers<[1], [0], [0], [1], [0, 0, 1, 1], [], []>, transpose_lhs_hint = false} : vector<40x64xf32>, vector<64x100xf32>, vector<40x100xf32> -> vector<40x100xf32>
    %convert_element_type3A_236 = arith.truncf %dot_general3A_235 : vector<40x100xf32> to vector<40x100xbf16>
    %swap3A_237 = arith.constant 912 : index
    %swap3A_238 = arith.constant 0 : index
    %swap3A_239 = vector.load %arg3[%swap3A_237, %swap3A_238] : memref<1440x100xbf16, #tpu.memory_space<vmem>>, vector<40x100xbf16>
    tpu.vector_store %arg3[%swap3A_237, %swap3A_238], %convert_element_type3A_236 {strides = array<i32>} : memref<1440x100xbf16, #tpu.memory_space<vmem>>, vector<40x100xbf16>,
    %broadcast_in_dim3A_240 = arith.constant 0.000000e+00 : bf16
    %broadcast_in_dim3A_241 = vector.broadcast %broadcast_in_dim3A_240 : bf16 to vector<8x100xbf16>
    %swap3A_242 = arith.constant 952 : index
    %swap3A_243 = arith.constant 0 : index
    %swap3A_244 = vector.load %arg3[%swap3A_242, %swap3A_243] : memref<1440x100xbf16, #tpu.memory_space<vmem>>, vector<8x100xbf16>
    tpu.vector_store %arg3[%swap3A_242, %swap3A_243], %broadcast_in_dim3A_241 {strides = array<i32>} : memref<1440x100xbf16, #tpu.memory_space<vmem>>, vector<8x100xbf16>,
    %get3A_245 = arith.constant 0 : index
    %get3A_246 = arith.constant 0 : index
    %get3A_247 = vector.load %arg1[%get3A_245, %get3A_246] : memref<40x64xf32, #tpu.memory_space<vmem>>, vector<40x64xf32>
    %get3A_248 = arith.constant 1280 : index
    %get3A_249 = arith.constant 0 : index
    %get3A_250 = vector.load %arg2[%get3A_248, %get3A_249] : memref<1920x100xf32, #tpu.memory_space<vmem>>, vector<64x100xf32>
    %dot_general3A_251 = arith.constant dense<0.000000e+00> : vector<40x100xf32>
    %dot_general3A_252 = tpu.matmul %get3A_247, %get3A_250, %dot_general3A_251 {dimension_numbers = #tpu.dot_dimension_numbers<[1], [0], [0], [1], [0, 0, 1, 1], [], []>, transpose_lhs_hint = false} : vector<40x64xf32>, vector<64x100xf32>, vector<40x100xf32> -> vector<40x100xf32>
    %convert_element_type3A_253 = arith.truncf %dot_general3A_252 : vector<40x100xf32> to vector<40x100xbf16>
    %swap3A_254 = arith.constant 960 : index
    %swap3A_255 = arith.constant 0 : index
    %swap3A_256 = vector.load %arg3[%swap3A_254, %swap3A_255] : memref<1440x100xbf16, #tpu.memory_space<vmem>>, vector<40x100xbf16>
    tpu.vector_store %arg3[%swap3A_254, %swap3A_255], %convert_element_type3A_253 {strides = array<i32>} : memref<1440x100xbf16, #tpu.memory_space<vmem>>, vector<40x100xbf16>,
    %broadcast_in_dim3A_257 = arith.constant 0.000000e+00 : bf16
    %broadcast_in_dim3A_258 = vector.broadcast %broadcast_in_dim3A_257 : bf16 to vector<8x100xbf16>
    %swap3A_259 = arith.constant 1000 : index
    %swap3A_260 = arith.constant 0 : index
    %swap3A_261 = vector.load %arg3[%swap3A_259, %swap3A_260] : memref<1440x100xbf16, #tpu.memory_space<vmem>>, vector<8x100xbf16>
    tpu.vector_store %arg3[%swap3A_259, %swap3A_260], %broadcast_in_dim3A_258 {strides = array<i32>} : memref<1440x100xbf16, #tpu.memory_space<vmem>>, vector<8x100xbf16>,
    %get3A_262 = arith.constant 0 : index
    %get3A_263 = arith.constant 0 : index
    %get3A_264 = vector.load %arg1[%get3A_262, %get3A_263] : memref<40x64xf32, #tpu.memory_space<vmem>>, vector<40x64xf32>
    %get3A_265 = arith.constant 1344 : index
    %get3A_266 = arith.constant 0 : index
    %get3A_267 = vector.load %arg2[%get3A_265, %get3A_266] : memref<1920x100xf32, #tpu.memory_space<vmem>>, vector<64x100xf32>
    %dot_general3A_268 = arith.constant dense<0.000000e+00> : vector<40x100xf32>
    %dot_general3A_269 = tpu.matmul %get3A_264, %get3A_267, %dot_general3A_268 {dimension_numbers = #tpu.dot_dimension_numbers<[1], [0], [0], [1], [0, 0, 1, 1], [], []>, transpose_lhs_hint = false} : vector<40x64xf32>, vector<64x100xf32>, vector<40x100xf32> -> vector<40x100xf32>
    %convert_element_type3A_270 = arith.truncf %dot_general3A_269 : vector<40x100xf32> to vector<40x100xbf16>
    %swap3A_271 = arith.constant 1008 : index
    %swap3A_272 = arith.constant 0 : index
    %swap3A_273 = vector.load %arg3[%swap3A_271, %swap3A_272] : memref<1440x100xbf16, #tpu.memory_space<vmem>>, vector<40x100xbf16>
    tpu.vector_store %arg3[%swap3A_271, %swap3A_272], %convert_element_type3A_270 {strides = array<i32>} : memref<1440x100xbf16, #tpu.memory_space<vmem>>, vector<40x100xbf16>,
    %broadcast_in_dim3A_274 = arith.constant 0.000000e+00 : bf16
    %broadcast_in_dim3A_275 = vector.broadcast %broadcast_in_dim3A_274 : bf16 to vector<8x100xbf16>
    %swap3A_276 = arith.constant 1048 : index
    %swap3A_277 = arith.constant 0 : index
    %swap3A_278 = vector.load %arg3[%swap3A_276, %swap3A_277] : memref<1440x100xbf16, #tpu.memory_space<vmem>>, vector<8x100xbf16>
    tpu.vector_store %arg3[%swap3A_276, %swap3A_277], %broadcast_in_dim3A_275 {strides = array<i32>} : memref<1440x100xbf16, #tpu.memory_space<vmem>>, vector<8x100xbf16>,
    %get3A_279 = arith.constant 0 : index
    %get3A_280 = arith.constant 0 : index
    %get3A_281 = vector.load %arg1[%get3A_279, %get3A_280] : memref<40x64xf32, #tpu.memory_space<vmem>>, vector<40x64xf32>
    %get3A_282 = arith.constant 1408 : index
    %get3A_283 = arith.constant 0 : index
    %get3A_284 = vector.load %arg2[%get3A_282, %get3A_283] : memref<1920x100xf32, #tpu.memory_space<vmem>>, vector<64x100xf32>
    %dot_general3A_285 = arith.constant dense<0.000000e+00> : vector<40x100xf32>
    %dot_general3A_286 = tpu.matmul %get3A_281, %get3A_284, %dot_general3A_285 {dimension_numbers = #tpu.dot_dimension_numbers<[1], [0], [0], [1], [0, 0, 1, 1], [], []>, transpose_lhs_hint = false} : vector<40x64xf32>, vector<64x100xf32>, vector<40x100xf32> -> vector<40x100xf32>
    %convert_element_type3A_287 = arith.truncf %dot_general3A_286 : vector<40x100xf32> to vector<40x100xbf16>
    %swap3A_288 = arith.constant 1056 : index
    %swap3A_289 = arith.constant 0 : index
    %swap3A_290 = vector.load %arg3[%swap3A_288, %swap3A_289] : memref<1440x100xbf16, #tpu.memory_space<vmem>>, vector<40x100xbf16>
    tpu.vector_store %arg3[%swap3A_288, %swap3A_289], %convert_element_type3A_287 {strides = array<i32>} : memref<1440x100xbf16, #tpu.memory_space<vmem>>, vector<40x100xbf16>,
    %broadcast_in_dim3A_291 = arith.constant 0.000000e+00 : bf16
    %broadcast_in_dim3A_292 = vector.broadcast %broadcast_in_dim3A_291 : bf16 to vector<8x100xbf16>
    %swap3A_293 = arith.constant 1096 : index
    %swap3A_294 = arith.constant 0 : index
    %swap3A_295 = vector.load %arg3[%swap3A_293, %swap3A_294] : memref<1440x100xbf16, #tpu.memory_space<vmem>>, vector<8x100xbf16>
    tpu.vector_store %arg3[%swap3A_293, %swap3A_294], %broadcast_in_dim3A_292 {strides = array<i32>} : memref<1440x100xbf16, #tpu.memory_space<vmem>>, vector<8x100xbf16>,
    %get3A_296 = arith.constant 0 : index
    %get3A_297 = arith.constant 0 : index
    %get3A_298 = vector.load %arg1[%get3A_296, %get3A_297] : memref<40x64xf32, #tpu.memory_space<vmem>>, vector<40x64xf32>
    %get3A_299 = arith.constant 1472 : index
    %get3A_300 = arith.constant 0 : index
    %get3A_301 = vector.load %arg2[%get3A_299, %get3A_300] : memref<1920x100xf32, #tpu.memory_space<vmem>>, vector<64x100xf32>
    %dot_general3A_302 = arith.constant dense<0.000000e+00> : vector<40x100xf32>
    %dot_general3A_303 = tpu.matmul %get3A_298, %get3A_301, %dot_general3A_302 {dimension_numbers = #tpu.dot_dimension_numbers<[1], [0], [0], [1], [0, 0, 1, 1], [], []>, transpose_lhs_hint = false} : vector<40x64xf32>, vector<64x100xf32>, vector<40x100xf32> -> vector<40x100xf32>
    %convert_element_type3A_304 = arith.truncf %dot_general3A_303 : vector<40x100xf32> to vector<40x100xbf16>
    %swap3A_305 = arith.constant 1104 : index
    %swap3A_306 = arith.constant 0 : index
    %swap3A_307 = vector.load %arg3[%swap3A_305, %swap3A_306] : memref<1440x100xbf16, #tpu.memory_space<vmem>>, vector<40x100xbf16>
    tpu.vector_store %arg3[%swap3A_305, %swap3A_306], %convert_element_type3A_304 {strides = array<i32>} : memref<1440x100xbf16, #tpu.memory_space<vmem>>, vector<40x100xbf16>,
    %broadcast_in_dim3A_308 = arith.constant 0.000000e+00 : bf16
    %broadcast_in_dim3A_309 = vector.broadcast %broadcast_in_dim3A_308 : bf16 to vector<8x100xbf16>
    %swap3A_310 = arith.constant 1144 : index
    %swap3A_311 = arith.constant 0 : index
    %swap3A_312 = vector.load %arg3[%swap3A_310, %swap3A_311] : memref<1440x100xbf16, #tpu.memory_space<vmem>>, vector<8x100xbf16>
    tpu.vector_store %arg3[%swap3A_310, %swap3A_311], %broadcast_in_dim3A_309 {strides = array<i32>} : memref<1440x100xbf16, #tpu.memory_space<vmem>>, vector<8x100xbf16>,
    %get3A_313 = arith.constant 0 : index
    %get3A_314 = arith.constant 0 : index
    %get3A_315 = vector.load %arg1[%get3A_313, %get3A_314] : memref<40x64xf32, #tpu.memory_space<vmem>>, vector<40x64xf32>
    %get3A_316 = arith.constant 1536 : index
    %get3A_317 = arith.constant 0 : index
    %get3A_318 = vector.load %arg2[%get3A_316, %get3A_317] : memref<1920x100xf32, #tpu.memory_space<vmem>>, vector<64x100xf32>
    %dot_general3A_319 = arith.constant dense<0.000000e+00> : vector<40x100xf32>
    %dot_general3A_320 = tpu.matmul %get3A_315, %get3A_318, %dot_general3A_319 {dimension_numbers = #tpu.dot_dimension_numbers<[1], [0], [0], [1], [0, 0, 1, 1], [], []>, transpose_lhs_hint = false} : vector<40x64xf32>, vector<64x100xf32>, vector<40x100xf32> -> vector<40x100xf32>
    %convert_element_type3A_321 = arith.truncf %dot_general3A_320 : vector<40x100xf32> to vector<40x100xbf16>
    %swap3A_322 = arith.constant 1152 : index
    %swap3A_323 = arith.constant 0 : index
    %swap3A_324 = vector.load %arg3[%swap3A_322, %swap3A_323] : memref<1440x100xbf16, #tpu.memory_space<vmem>>, vector<40x100xbf16>
    tpu.vector_store %arg3[%swap3A_322, %swap3A_323], %convert_element_type3A_321 {strides = array<i32>} : memref<1440x100xbf16, #tpu.memory_space<vmem>>, vector<40x100xbf16>,
    %broadcast_in_dim3A_325 = arith.constant 0.000000e+00 : bf16
    %broadcast_in_dim3A_326 = vector.broadcast %broadcast_in_dim3A_325 : bf16 to vector<8x100xbf16>
    %swap3A_327 = arith.constant 1192 : index
    %swap3A_328 = arith.constant 0 : index
    %swap3A_329 = vector.load %arg3[%swap3A_327, %swap3A_328] : memref<1440x100xbf16, #tpu.memory_space<vmem>>, vector<8x100xbf16>
    tpu.vector_store %arg3[%swap3A_327, %swap3A_328], %broadcast_in_dim3A_326 {strides = array<i32>} : memref<1440x100xbf16, #tpu.memory_space<vmem>>, vector<8x100xbf16>,
    %get3A_330 = arith.constant 0 : index
    %get3A_331 = arith.constant 0 : index
    %get3A_332 = vector.load %arg1[%get3A_330, %get3A_331] : memref<40x64xf32, #tpu.memory_space<vmem>>, vector<40x64xf32>
    %get3A_333 = arith.constant 1600 : index
    %get3A_334 = arith.constant 0 : index
    %get3A_335 = vector.load %arg2[%get3A_333, %get3A_334] : memref<1920x100xf32, #tpu.memory_space<vmem>>, vector<64x100xf32>
    %dot_general3A_336 = arith.constant dense<0.000000e+00> : vector<40x100xf32>
    %dot_general3A_337 = tpu.matmul %get3A_332, %get3A_335, %dot_general3A_336 {dimension_numbers = #tpu.dot_dimension_numbers<[1], [0], [0], [1], [0, 0, 1, 1], [], []>, transpose_lhs_hint = false} : vector<40x64xf32>, vector<64x100xf32>, vector<40x100xf32> -> vector<40x100xf32>
    %convert_element_type3A_338 = arith.truncf %dot_general3A_337 : vector<40x100xf32> to vector<40x100xbf16>
    %swap3A_339 = arith.constant 1200 : index
    %swap3A_340 = arith.constant 0 : index
    %swap3A_341 = vector.load %arg3[%swap3A_339, %swap3A_340] : memref<1440x100xbf16, #tpu.memory_space<vmem>>, vector<40x100xbf16>
    tpu.vector_store %arg3[%swap3A_339, %swap3A_340], %convert_element_type3A_338 {strides = array<i32>} : memref<1440x100xbf16, #tpu.memory_space<vmem>>, vector<40x100xbf16>,
    %broadcast_in_dim3A_342 = arith.constant 0.000000e+00 : bf16
    %broadcast_in_dim3A_343 = vector.broadcast %broadcast_in_dim3A_342 : bf16 to vector<8x100xbf16>
    %swap3A_344 = arith.constant 1240 : index
    %swap3A_345 = arith.constant 0 : index
    %swap3A_346 = vector.load %arg3[%swap3A_344, %swap3A_345] : memref<1440x100xbf16, #tpu.memory_space<vmem>>, vector<8x100xbf16>
    tpu.vector_store %arg3[%swap3A_344, %swap3A_345], %broadcast_in_dim3A_343 {strides = array<i32>} : memref<1440x100xbf16, #tpu.memory_space<vmem>>, vector<8x100xbf16>,
    %get3A_347 = arith.constant 0 : index
    %get3A_348 = arith.constant 0 : index
    %get3A_349 = vector.load %arg1[%get3A_347, %get3A_348] : memref<40x64xf32, #tpu.memory_space<vmem>>, vector<40x64xf32>
    %get3A_350 = arith.constant 1664 : index
    %get3A_351 = arith.constant 0 : index
    %get3A_352 = vector.load %arg2[%get3A_350, %get3A_351] : memref<1920x100xf32, #tpu.memory_space<vmem>>, vector<64x100xf32>
    %dot_general3A_353 = arith.constant dense<0.000000e+00> : vector<40x100xf32>
    %dot_general3A_354 = tpu.matmul %get3A_349, %get3A_352, %dot_general3A_353 {dimension_numbers = #tpu.dot_dimension_numbers<[1], [0], [0], [1], [0, 0, 1, 1], [], []>, transpose_lhs_hint = false} : vector<40x64xf32>, vector<64x100xf32>, vector<40x100xf32> -> vector<40x100xf32>
    %convert_element_type3A_355 = arith.truncf %dot_general3A_354 : vector<40x100xf32> to vector<40x100xbf16>
    %swap3A_356 = arith.constant 1248 : index
    %swap3A_357 = arith.constant 0 : index
    %swap3A_358 = vector.load %arg3[%swap3A_356, %swap3A_357] : memref<1440x100xbf16, #tpu.memory_space<vmem>>, vector<40x100xbf16>
    tpu.vector_store %arg3[%swap3A_356, %swap3A_357], %convert_element_type3A_355 {strides = array<i32>} : memref<1440x100xbf16, #tpu.memory_space<vmem>>, vector<40x100xbf16>,
    %broadcast_in_dim3A_359 = arith.constant 0.000000e+00 : bf16
    %broadcast_in_dim3A_360 = vector.broadcast %broadcast_in_dim3A_359 : bf16 to vector<8x100xbf16>
    %swap3A_361 = arith.constant 1288 : index
    %swap3A_362 = arith.constant 0 : index
    %swap3A_363 = vector.load %arg3[%swap3A_361, %swap3A_362] : memref<1440x100xbf16, #tpu.memory_space<vmem>>, vector<8x100xbf16>
    tpu.vector_store %arg3[%swap3A_361, %swap3A_362], %broadcast_in_dim3A_360 {strides = array<i32>} : memref<1440x100xbf16, #tpu.memory_space<vmem>>, vector<8x100xbf16>,
    %get3A_364 = arith.constant 0 : index
    %get3A_365 = arith.constant 0 : index
    %get3A_366 = vector.load %arg1[%get3A_364, %get3A_365] : memref<40x64xf32, #tpu.memory_space<vmem>>, vector<40x64xf32>
    %get3A_367 = arith.constant 1728 : index
    %get3A_368 = arith.constant 0 : index
    %get3A_369 = vector.load %arg2[%get3A_367, %get3A_368] : memref<1920x100xf32, #tpu.memory_space<vmem>>, vector<64x100xf32>
    %dot_general3A_370 = arith.constant dense<0.000000e+00> : vector<40x100xf32>
    %dot_general3A_371 = tpu.matmul %get3A_366, %get3A_369, %dot_general3A_370 {dimension_numbers = #tpu.dot_dimension_numbers<[1], [0], [0], [1], [0, 0, 1, 1], [], []>, transpose_lhs_hint = false} : vector<40x64xf32>, vector<64x100xf32>, vector<40x100xf32> -> vector<40x100xf32>
    %convert_element_type3A_372 = arith.truncf %dot_general3A_371 : vector<40x100xf32> to vector<40x100xbf16>
    %swap3A_373 = arith.constant 1296 : index
    %swap3A_374 = arith.constant 0 : index
    %swap3A_375 = vector.load %arg3[%swap3A_373, %swap3A_374] : memref<1440x100xbf16, #tpu.memory_space<vmem>>, vector<40x100xbf16>
    tpu.vector_store %arg3[%swap3A_373, %swap3A_374], %convert_element_type3A_372 {strides = array<i32>} : memref<1440x100xbf16, #tpu.memory_space<vmem>>, vector<40x100xbf16>,
    %broadcast_in_dim3A_376 = arith.constant 0.000000e+00 : bf16
    %broadcast_in_dim3A_377 = vector.broadcast %broadcast_in_dim3A_376 : bf16 to vector<8x100xbf16>
    %swap3A_378 = arith.constant 1336 : index
    %swap3A_379 = arith.constant 0 : index
    %swap3A_380 = vector.load %arg3[%swap3A_378, %swap3A_379] : memref<1440x100xbf16, #tpu.memory_space<vmem>>, vector<8x100xbf16>
    tpu.vector_store %arg3[%swap3A_378, %swap3A_379], %broadcast_in_dim3A_377 {strides = array<i32>} : memref<1440x100xbf16, #tpu.memory_space<vmem>>, vector<8x100xbf16>,
    %get3A_381 = arith.constant 0 : index
    %get3A_382 = arith.constant 0 : index
    %get3A_383 = vector.load %arg1[%get3A_381, %get3A_382] : memref<40x64xf32, #tpu.memory_space<vmem>>, vector<40x64xf32>
    %get3A_384 = arith.constant 1792 : index
    %get3A_385 = arith.constant 0 : index
    %get3A_386 = vector.load %arg2[%get3A_384, %get3A_385] : memref<1920x100xf32, #tpu.memory_space<vmem>>, vector<64x100xf32>
    %dot_general3A_387 = arith.constant dense<0.000000e+00> : vector<40x100xf32>
    %dot_general3A_388 = tpu.matmul %get3A_383, %get3A_386, %dot_general3A_387 {dimension_numbers = #tpu.dot_dimension_numbers<[1], [0], [0], [1], [0, 0, 1, 1], [], []>, transpose_lhs_hint = false} : vector<40x64xf32>, vector<64x100xf32>, vector<40x100xf32> -> vector<40x100xf32>
    %convert_element_type3A_389 = arith.truncf %dot_general3A_388 : vector<40x100xf32> to vector<40x100xbf16>
    %swap3A_390 = arith.constant 1344 : index
    %swap3A_391 = arith.constant 0 : index
    %swap3A_392 = vector.load %arg3[%swap3A_390, %swap3A_391] : memref<1440x100xbf16, #tpu.memory_space<vmem>>, vector<40x100xbf16>
    tpu.vector_store %arg3[%swap3A_390, %swap3A_391], %convert_element_type3A_389 {strides = array<i32>} : memref<1440x100xbf16, #tpu.memory_space<vmem>>, vector<40x100xbf16>,
    %broadcast_in_dim3A_393 = arith.constant 0.000000e+00 : bf16
    %broadcast_in_dim3A_394 = vector.broadcast %broadcast_in_dim3A_393 : bf16 to vector<8x100xbf16>
    %swap3A_395 = arith.constant 1384 : index
    %swap3A_396 = arith.constant 0 : index
    %swap3A_397 = vector.load %arg3[%swap3A_395, %swap3A_396] : memref<1440x100xbf16, #tpu.memory_space<vmem>>, vector<8x100xbf16>
    tpu.vector_store %arg3[%swap3A_395, %swap3A_396], %broadcast_in_dim3A_394 {strides = array<i32>} : memref<1440x100xbf16, #tpu.memory_space<vmem>>, vector<8x100xbf16>,
    %get3A_398 = arith.constant 0 : index
    %get3A_399 = arith.constant 0 : index
    %get3A_400 = vector.load %arg1[%get3A_398, %get3A_399] : memref<40x64xf32, #tpu.memory_space<vmem>>, vector<40x64xf32>
    %get3A_401 = arith.constant 1856 : index
    %get3A_402 = arith.constant 0 : index
    %get3A_403 = vector.load %arg2[%get3A_401, %get3A_402] : memref<1920x100xf32, #tpu.memory_space<vmem>>, vector<64x100xf32>
    %dot_general3A_404 = arith.constant dense<0.000000e+00> : vector<40x100xf32>
    %dot_general3A_405 = tpu.matmul %get3A_400, %get3A_403, %dot_general3A_404 {dimension_numbers = #tpu.dot_dimension_numbers<[1], [0], [0], [1], [0, 0, 1, 1], [], []>, transpose_lhs_hint = false} : vector<40x64xf32>, vector<64x100xf32>, vector<40x100xf32> -> vector<40x100xf32>
    %convert_element_type3A_406 = arith.truncf %dot_general3A_405 : vector<40x100xf32> to vector<40x100xbf16>
    %swap3A_407 = arith.constant 1392 : index
    %swap3A_408 = arith.constant 0 : index
    %swap3A_409 = vector.load %arg3[%swap3A_407, %swap3A_408] : memref<1440x100xbf16, #tpu.memory_space<vmem>>, vector<40x100xbf16>
    tpu.vector_store %arg3[%swap3A_407, %swap3A_408], %convert_element_type3A_406 {strides = array<i32>} : memref<1440x100xbf16, #tpu.memory_space<vmem>>, vector<40x100xbf16>,
    %broadcast_in_dim3A_410 = arith.constant 0.000000e+00 : bf16
    %broadcast_in_dim3A_411 = vector.broadcast %broadcast_in_dim3A_410 : bf16 to vector<8x100xbf16>
    %swap3A_412 = arith.constant 1432 : index
    %swap3A_413 = arith.constant 0 : index
    %swap3A_414 = vector.load %arg3[%swap3A_412, %swap3A_413] : memref<1440x100xbf16, #tpu.memory_space<vmem>>, vector<8x100xbf16>
    tpu.vector_store %arg3[%swap3A_412, %swap3A_413], %broadcast_in_dim3A_411 {strides = array<i32>} : memref<1440x100xbf16, #tpu.memory_space<vmem>>, vector<8x100xbf16>,
    return
  }
}

module attributes {stable_mosaic.version = 14 : i64} {
  func.func @body(%arg0: i32, %arg1: memref<18x1024x128xf32, #tpu.memory_space<vmem>>, %arg2: memref<1024x30xbf16, #tpu.memory_space<vmem>>, %arg3: memref<18x64x100xbf16, #tpu.memory_space<vmem>>, %arg4: memref<1440x100xbf16, #tpu.memory_space<vmem>>, %arg5: memref<30x1440xbf16, #tpu.memory_space<vmem>>, %arg6: memref<1x1440xf32, #tpu.memory_space<vmem>>, %arg7: memref<1x100xf32, #tpu.memory_space<vmem>>, %arg8: memref<100x79xbf16, #tpu.memory_space<vmem>>, %arg9: memref<1x79xf32, #tpu.memory_space<vmem>>, %arg10: memref<1024x79xf32, #tpu.memory_space<vmem>>) attributes {dimension_semantics = [#tpu.dimension_semantics<arbitrary>], iteration_bounds = array<i64: 16>, scalar_prefetch = 0 : i64, scratch_operands = 0 : i64, tpu.core_type = #tpu.core_type<tc>, window_params = [{transform_indices = @transform_0, window_bounds = array<i64: 18, 1024, 128>}, {transform_indices = @transform_1, window_bounds = array<i64: 1024, 30>}, {pipeline_mode = #tpu.pipeline_mode<synchronous>, transform_indices = @transform_2, window_bounds = array<i64: 18, 64, 100>}, {pipeline_mode = #tpu.pipeline_mode<synchronous>, transform_indices = @transform_3, window_bounds = array<i64: 1440, 100>}, {pipeline_mode = #tpu.pipeline_mode<synchronous>, transform_indices = @transform_4, window_bounds = array<i64: 30, 1440>}, {pipeline_mode = #tpu.pipeline_mode<synchronous>, transform_indices = @transform_5, window_bounds = array<i64: 1, 1440>}, {pipeline_mode = #tpu.pipeline_mode<synchronous>, transform_indices = @transform_6, window_bounds = array<i64: 1, 100>}, {pipeline_mode = #tpu.pipeline_mode<synchronous>, transform_indices = @transform_7, window_bounds = array<i64: 100, 79>}, {pipeline_mode = #tpu.pipeline_mode<synchronous>, transform_indices = @transform_8, window_bounds = array<i64: 1, 79>}, {transform_indices = @transform_9, window_bounds = array<i64: 1024, 79>}]} {
    %get3A = arith.constant 0 : index
    %get3A_0 = arith.constant 0 : index
    %get3A_1 = vector.load %arg2[%get3A, %get3A_0] : memref<1024x30xbf16, #tpu.memory_space<vmem>>, vector<1024x30xbf16>
    %get3A_2 = arith.constant 0 : index
    %get3A_3 = arith.constant 0 : index
    %get3A_4 = vector.load %arg5[%get3A_2, %get3A_3] : memref<30x1440xbf16, #tpu.memory_space<vmem>>, vector<30x1440xbf16>
    %dot_general3A = arith.constant dense<0.000000e+00> : vector<1024x1440xf32>
    %dot_general3A_5 = tpu.matmul %get3A_1, %get3A_4, %dot_general3A {dimension_numbers = #tpu.dot_dimension_numbers<[1], [0], [0], [1], [0, 0, 1, 1], [], []>, transpose_lhs_hint = false} : vector<1024x30xbf16>, vector<30x1440xbf16>, vector<1024x1440xf32> -> vector<1024x1440xf32>
    %get3A_6 = arith.constant 0 : index
    %get3A_7 = arith.constant 0 : index
    %get3A_8 = vector.load %arg6[%get3A_6, %get3A_7] : memref<1x1440xf32, #tpu.memory_space<vmem>>, vector<1x1440xf32>
    %eq3A = vector.broadcast %get3A_8 : vector<1x1440xf32> to vector<1024x1440xf32>
    %eq3A_9 = arith.cmpf oeq, %dot_general3A_5, %eq3A : vector<1024x1440xf32>
    %convert_element_type3A = arith.extui %eq3A_9 : vector<1024x1440xi1> to vector<1024x1440xi32>
    %convert_element_type3A_10 = arith.sitofp %convert_element_type3A : vector<1024x1440xi32> to vector<1024x1440xf32>
    %convert_element_type3A_11 = arith.truncf %convert_element_type3A_10 : vector<1024x1440xf32> to vector<1024x1440xbf16>
    %get3A_12 = arith.constant 0 : index
    %get3A_13 = arith.constant 0 : index
    %get3A_14 = vector.load %arg4[%get3A_12, %get3A_13] : memref<1440x100xbf16, #tpu.memory_space<vmem>>, vector<1440x100xbf16>
    %dot_general3A_15 = arith.constant dense<0.000000e+00> : vector<1024x100xf32>
    %dot_general3A_16 = tpu.matmul %convert_element_type3A_11, %get3A_14, %dot_general3A_15 {dimension_numbers = #tpu.dot_dimension_numbers<[1], [0], [0], [1], [0, 0, 1, 1], [], []>, transpose_lhs_hint = false} : vector<1024x1440xbf16>, vector<1440x100xbf16>, vector<1024x100xf32> -> vector<1024x100xf32>
    %get3A_17 = arith.constant 0 : index
    %get3A_18 = arith.constant 0 : index
    %get3A_19 = arith.constant 0 : index
    %get3A_20 = vector.load %arg1[%get3A_17, %get3A_18, %get3A_19] : memref<18x1024x128xf32, #tpu.memory_space<vmem>>, vector<1x1024x128xf32>
    %get3A_21 = vector.shape_cast %get3A_20 : vector<1x1024x128xf32> to vector<1024x128xf32>
    %slice3A = vector.extract_strided_slice %get3A_21 {offsets = [0, 0], sizes = [1024, 64], strides = [1, 1]} : vector<1024x128xf32> to vector<1024x64xf32>
    %convert_element_type3A_22 = arith.truncf %slice3A : vector<1024x64xf32> to vector<1024x64xbf16>
    %get3A_23 = arith.constant 0 : index
    %get3A_24 = arith.constant 0 : index
    %get3A_25 = arith.constant 0 : index
    %get3A_26 = vector.load %arg3[%get3A_23, %get3A_24, %get3A_25] : memref<18x64x100xbf16, #tpu.memory_space<vmem>>, vector<1x64x100xbf16>
    %get3A_27 = vector.shape_cast %get3A_26 : vector<1x64x100xbf16> to vector<64x100xbf16>
    %dot_general3A_28 = arith.constant dense<0.000000e+00> : vector<1024x100xf32>
    %dot_general3A_29 = tpu.matmul %convert_element_type3A_22, %get3A_27, %dot_general3A_28 {dimension_numbers = #tpu.dot_dimension_numbers<[1], [0], [0], [1], [0, 0, 1, 1], [], []>, transpose_lhs_hint = false} : vector<1024x64xbf16>, vector<64x100xbf16>, vector<1024x100xf32> -> vector<1024x100xf32>
    %add3A = arith.addf %dot_general3A_16, %dot_general3A_29 : vector<1024x100xf32>
    %get3A_30 = arith.constant 1 : index
    %get3A_31 = arith.constant 0 : index
    %get3A_32 = arith.constant 0 : index
    %get3A_33 = vector.load %arg1[%get3A_30, %get3A_31, %get3A_32] : memref<18x1024x128xf32, #tpu.memory_space<vmem>>, vector<1x1024x128xf32>
    %get3A_34 = vector.shape_cast %get3A_33 : vector<1x1024x128xf32> to vector<1024x128xf32>
    %slice3A_35 = vector.extract_strided_slice %get3A_34 {offsets = [0, 0], sizes = [1024, 64], strides = [1, 1]} : vector<1024x128xf32> to vector<1024x64xf32>
    %convert_element_type3A_36 = arith.truncf %slice3A_35 : vector<1024x64xf32> to vector<1024x64xbf16>
    %get3A_37 = arith.constant 1 : index
    %get3A_38 = arith.constant 0 : index
    %get3A_39 = arith.constant 0 : index
    %get3A_40 = vector.load %arg3[%get3A_37, %get3A_38, %get3A_39] : memref<18x64x100xbf16, #tpu.memory_space<vmem>>, vector<1x64x100xbf16>
    %get3A_41 = vector.shape_cast %get3A_40 : vector<1x64x100xbf16> to vector<64x100xbf16>
    %dot_general3A_42 = arith.constant dense<0.000000e+00> : vector<1024x100xf32>
    %dot_general3A_43 = tpu.matmul %convert_element_type3A_36, %get3A_41, %dot_general3A_42 {dimension_numbers = #tpu.dot_dimension_numbers<[1], [0], [0], [1], [0, 0, 1, 1], [], []>, transpose_lhs_hint = false} : vector<1024x64xbf16>, vector<64x100xbf16>, vector<1024x100xf32> -> vector<1024x100xf32>
    %add3A_44 = arith.addf %add3A, %dot_general3A_43 : vector<1024x100xf32>
    %get3A_45 = arith.constant 2 : index
    %get3A_46 = arith.constant 0 : index
    %get3A_47 = arith.constant 0 : index
    %get3A_48 = vector.load %arg1[%get3A_45, %get3A_46, %get3A_47] : memref<18x1024x128xf32, #tpu.memory_space<vmem>>, vector<1x1024x128xf32>
    %get3A_49 = vector.shape_cast %get3A_48 : vector<1x1024x128xf32> to vector<1024x128xf32>
    %slice3A_50 = vector.extract_strided_slice %get3A_49 {offsets = [0, 0], sizes = [1024, 64], strides = [1, 1]} : vector<1024x128xf32> to vector<1024x64xf32>
    %convert_element_type3A_51 = arith.truncf %slice3A_50 : vector<1024x64xf32> to vector<1024x64xbf16>
    %get3A_52 = arith.constant 2 : index
    %get3A_53 = arith.constant 0 : index
    %get3A_54 = arith.constant 0 : index
    %get3A_55 = vector.load %arg3[%get3A_52, %get3A_53, %get3A_54] : memref<18x64x100xbf16, #tpu.memory_space<vmem>>, vector<1x64x100xbf16>
    %get3A_56 = vector.shape_cast %get3A_55 : vector<1x64x100xbf16> to vector<64x100xbf16>
    %dot_general3A_57 = arith.constant dense<0.000000e+00> : vector<1024x100xf32>
    %dot_general3A_58 = tpu.matmul %convert_element_type3A_51, %get3A_56, %dot_general3A_57 {dimension_numbers = #tpu.dot_dimension_numbers<[1], [0], [0], [1], [0, 0, 1, 1], [], []>, transpose_lhs_hint = false} : vector<1024x64xbf16>, vector<64x100xbf16>, vector<1024x100xf32> -> vector<1024x100xf32>
    %add3A_59 = arith.addf %add3A_44, %dot_general3A_58 : vector<1024x100xf32>
    %get3A_60 = arith.constant 3 : index
    %get3A_61 = arith.constant 0 : index
    %get3A_62 = arith.constant 0 : index
    %get3A_63 = vector.load %arg1[%get3A_60, %get3A_61, %get3A_62] : memref<18x1024x128xf32, #tpu.memory_space<vmem>>, vector<1x1024x128xf32>
    %get3A_64 = vector.shape_cast %get3A_63 : vector<1x1024x128xf32> to vector<1024x128xf32>
    %slice3A_65 = vector.extract_strided_slice %get3A_64 {offsets = [0, 0], sizes = [1024, 64], strides = [1, 1]} : vector<1024x128xf32> to vector<1024x64xf32>
    %convert_element_type3A_66 = arith.truncf %slice3A_65 : vector<1024x64xf32> to vector<1024x64xbf16>
    %get3A_67 = arith.constant 3 : index
    %get3A_68 = arith.constant 0 : index
    %get3A_69 = arith.constant 0 : index
    %get3A_70 = vector.load %arg3[%get3A_67, %get3A_68, %get3A_69] : memref<18x64x100xbf16, #tpu.memory_space<vmem>>, vector<1x64x100xbf16>
    %get3A_71 = vector.shape_cast %get3A_70 : vector<1x64x100xbf16> to vector<64x100xbf16>
    %dot_general3A_72 = arith.constant dense<0.000000e+00> : vector<1024x100xf32>
    %dot_general3A_73 = tpu.matmul %convert_element_type3A_66, %get3A_71, %dot_general3A_72 {dimension_numbers = #tpu.dot_dimension_numbers<[1], [0], [0], [1], [0, 0, 1, 1], [], []>, transpose_lhs_hint = false} : vector<1024x64xbf16>, vector<64x100xbf16>, vector<1024x100xf32> -> vector<1024x100xf32>
    %add3A_74 = arith.addf %add3A_59, %dot_general3A_73 : vector<1024x100xf32>
    %get3A_75 = arith.constant 4 : index
    %get3A_76 = arith.constant 0 : index
    %get3A_77 = arith.constant 0 : index
    %get3A_78 = vector.load %arg1[%get3A_75, %get3A_76, %get3A_77] : memref<18x1024x128xf32, #tpu.memory_space<vmem>>, vector<1x1024x128xf32>
    %get3A_79 = vector.shape_cast %get3A_78 : vector<1x1024x128xf32> to vector<1024x128xf32>
    %slice3A_80 = vector.extract_strided_slice %get3A_79 {offsets = [0, 0], sizes = [1024, 64], strides = [1, 1]} : vector<1024x128xf32> to vector<1024x64xf32>
    %convert_element_type3A_81 = arith.truncf %slice3A_80 : vector<1024x64xf32> to vector<1024x64xbf16>
    %get3A_82 = arith.constant 4 : index
    %get3A_83 = arith.constant 0 : index
    %get3A_84 = arith.constant 0 : index
    %get3A_85 = vector.load %arg3[%get3A_82, %get3A_83, %get3A_84] : memref<18x64x100xbf16, #tpu.memory_space<vmem>>, vector<1x64x100xbf16>
    %get3A_86 = vector.shape_cast %get3A_85 : vector<1x64x100xbf16> to vector<64x100xbf16>
    %dot_general3A_87 = arith.constant dense<0.000000e+00> : vector<1024x100xf32>
    %dot_general3A_88 = tpu.matmul %convert_element_type3A_81, %get3A_86, %dot_general3A_87 {dimension_numbers = #tpu.dot_dimension_numbers<[1], [0], [0], [1], [0, 0, 1, 1], [], []>, transpose_lhs_hint = false} : vector<1024x64xbf16>, vector<64x100xbf16>, vector<1024x100xf32> -> vector<1024x100xf32>
    %add3A_89 = arith.addf %add3A_74, %dot_general3A_88 : vector<1024x100xf32>
    %get3A_90 = arith.constant 5 : index
    %get3A_91 = arith.constant 0 : index
    %get3A_92 = arith.constant 0 : index
    %get3A_93 = vector.load %arg1[%get3A_90, %get3A_91, %get3A_92] : memref<18x1024x128xf32, #tpu.memory_space<vmem>>, vector<1x1024x128xf32>
    %get3A_94 = vector.shape_cast %get3A_93 : vector<1x1024x128xf32> to vector<1024x128xf32>
    %slice3A_95 = vector.extract_strided_slice %get3A_94 {offsets = [0, 0], sizes = [1024, 64], strides = [1, 1]} : vector<1024x128xf32> to vector<1024x64xf32>
    %convert_element_type3A_96 = arith.truncf %slice3A_95 : vector<1024x64xf32> to vector<1024x64xbf16>
    %get3A_97 = arith.constant 5 : index
    %get3A_98 = arith.constant 0 : index
    %get3A_99 = arith.constant 0 : index
    %get3A_100 = vector.load %arg3[%get3A_97, %get3A_98, %get3A_99] : memref<18x64x100xbf16, #tpu.memory_space<vmem>>, vector<1x64x100xbf16>
    %get3A_101 = vector.shape_cast %get3A_100 : vector<1x64x100xbf16> to vector<64x100xbf16>
    %dot_general3A_102 = arith.constant dense<0.000000e+00> : vector<1024x100xf32>
    %dot_general3A_103 = tpu.matmul %convert_element_type3A_96, %get3A_101, %dot_general3A_102 {dimension_numbers = #tpu.dot_dimension_numbers<[1], [0], [0], [1], [0, 0, 1, 1], [], []>, transpose_lhs_hint = false} : vector<1024x64xbf16>, vector<64x100xbf16>, vector<1024x100xf32> -> vector<1024x100xf32>
    %add3A_104 = arith.addf %add3A_89, %dot_general3A_103 : vector<1024x100xf32>
    %get3A_105 = arith.constant 6 : index
    %get3A_106 = arith.constant 0 : index
    %get3A_107 = arith.constant 0 : index
    %get3A_108 = vector.load %arg1[%get3A_105, %get3A_106, %get3A_107] : memref<18x1024x128xf32, #tpu.memory_space<vmem>>, vector<1x1024x128xf32>
    %get3A_109 = vector.shape_cast %get3A_108 : vector<1x1024x128xf32> to vector<1024x128xf32>
    %slice3A_110 = vector.extract_strided_slice %get3A_109 {offsets = [0, 0], sizes = [1024, 64], strides = [1, 1]} : vector<1024x128xf32> to vector<1024x64xf32>
    %convert_element_type3A_111 = arith.truncf %slice3A_110 : vector<1024x64xf32> to vector<1024x64xbf16>
    %get3A_112 = arith.constant 6 : index
    %get3A_113 = arith.constant 0 : index
    %get3A_114 = arith.constant 0 : index
    %get3A_115 = vector.load %arg3[%get3A_112, %get3A_113, %get3A_114] : memref<18x64x100xbf16, #tpu.memory_space<vmem>>, vector<1x64x100xbf16>
    %get3A_116 = vector.shape_cast %get3A_115 : vector<1x64x100xbf16> to vector<64x100xbf16>
    %dot_general3A_117 = arith.constant dense<0.000000e+00> : vector<1024x100xf32>
    %dot_general3A_118 = tpu.matmul %convert_element_type3A_111, %get3A_116, %dot_general3A_117 {dimension_numbers = #tpu.dot_dimension_numbers<[1], [0], [0], [1], [0, 0, 1, 1], [], []>, transpose_lhs_hint = false} : vector<1024x64xbf16>, vector<64x100xbf16>, vector<1024x100xf32> -> vector<1024x100xf32>
    %add3A_119 = arith.addf %add3A_104, %dot_general3A_118 : vector<1024x100xf32>
    %get3A_120 = arith.constant 7 : index
    %get3A_121 = arith.constant 0 : index
    %get3A_122 = arith.constant 0 : index
    %get3A_123 = vector.load %arg1[%get3A_120, %get3A_121, %get3A_122] : memref<18x1024x128xf32, #tpu.memory_space<vmem>>, vector<1x1024x128xf32>
    %get3A_124 = vector.shape_cast %get3A_123 : vector<1x1024x128xf32> to vector<1024x128xf32>
    %slice3A_125 = vector.extract_strided_slice %get3A_124 {offsets = [0, 0], sizes = [1024, 64], strides = [1, 1]} : vector<1024x128xf32> to vector<1024x64xf32>
    %convert_element_type3A_126 = arith.truncf %slice3A_125 : vector<1024x64xf32> to vector<1024x64xbf16>
    %get3A_127 = arith.constant 7 : index
    %get3A_128 = arith.constant 0 : index
    %get3A_129 = arith.constant 0 : index
    %get3A_130 = vector.load %arg3[%get3A_127, %get3A_128, %get3A_129] : memref<18x64x100xbf16, #tpu.memory_space<vmem>>, vector<1x64x100xbf16>
    %get3A_131 = vector.shape_cast %get3A_130 : vector<1x64x100xbf16> to vector<64x100xbf16>
    %dot_general3A_132 = arith.constant dense<0.000000e+00> : vector<1024x100xf32>
    %dot_general3A_133 = tpu.matmul %convert_element_type3A_126, %get3A_131, %dot_general3A_132 {dimension_numbers = #tpu.dot_dimension_numbers<[1], [0], [0], [1], [0, 0, 1, 1], [], []>, transpose_lhs_hint = false} : vector<1024x64xbf16>, vector<64x100xbf16>, vector<1024x100xf32> -> vector<1024x100xf32>
    %add3A_134 = arith.addf %add3A_119, %dot_general3A_133 : vector<1024x100xf32>
    %get3A_135 = arith.constant 8 : index
    %get3A_136 = arith.constant 0 : index
    %get3A_137 = arith.constant 0 : index
    %get3A_138 = vector.load %arg1[%get3A_135, %get3A_136, %get3A_137] : memref<18x1024x128xf32, #tpu.memory_space<vmem>>, vector<1x1024x128xf32>
    %get3A_139 = vector.shape_cast %get3A_138 : vector<1x1024x128xf32> to vector<1024x128xf32>
    %slice3A_140 = vector.extract_strided_slice %get3A_139 {offsets = [0, 0], sizes = [1024, 64], strides = [1, 1]} : vector<1024x128xf32> to vector<1024x64xf32>
    %convert_element_type3A_141 = arith.truncf %slice3A_140 : vector<1024x64xf32> to vector<1024x64xbf16>
    %get3A_142 = arith.constant 8 : index
    %get3A_143 = arith.constant 0 : index
    %get3A_144 = arith.constant 0 : index
    %get3A_145 = vector.load %arg3[%get3A_142, %get3A_143, %get3A_144] : memref<18x64x100xbf16, #tpu.memory_space<vmem>>, vector<1x64x100xbf16>
    %get3A_146 = vector.shape_cast %get3A_145 : vector<1x64x100xbf16> to vector<64x100xbf16>
    %dot_general3A_147 = arith.constant dense<0.000000e+00> : vector<1024x100xf32>
    %dot_general3A_148 = tpu.matmul %convert_element_type3A_141, %get3A_146, %dot_general3A_147 {dimension_numbers = #tpu.dot_dimension_numbers<[1], [0], [0], [1], [0, 0, 1, 1], [], []>, transpose_lhs_hint = false} : vector<1024x64xbf16>, vector<64x100xbf16>, vector<1024x100xf32> -> vector<1024x100xf32>
    %add3A_149 = arith.addf %add3A_134, %dot_general3A_148 : vector<1024x100xf32>
    %get3A_150 = arith.constant 9 : index
    %get3A_151 = arith.constant 0 : index
    %get3A_152 = arith.constant 0 : index
    %get3A_153 = vector.load %arg1[%get3A_150, %get3A_151, %get3A_152] : memref<18x1024x128xf32, #tpu.memory_space<vmem>>, vector<1x1024x128xf32>
    %get3A_154 = vector.shape_cast %get3A_153 : vector<1x1024x128xf32> to vector<1024x128xf32>
    %slice3A_155 = vector.extract_strided_slice %get3A_154 {offsets = [0, 0], sizes = [1024, 64], strides = [1, 1]} : vector<1024x128xf32> to vector<1024x64xf32>
    %convert_element_type3A_156 = arith.truncf %slice3A_155 : vector<1024x64xf32> to vector<1024x64xbf16>
    %get3A_157 = arith.constant 9 : index
    %get3A_158 = arith.constant 0 : index
    %get3A_159 = arith.constant 0 : index
    %get3A_160 = vector.load %arg3[%get3A_157, %get3A_158, %get3A_159] : memref<18x64x100xbf16, #tpu.memory_space<vmem>>, vector<1x64x100xbf16>
    %get3A_161 = vector.shape_cast %get3A_160 : vector<1x64x100xbf16> to vector<64x100xbf16>
    %dot_general3A_162 = arith.constant dense<0.000000e+00> : vector<1024x100xf32>
    %dot_general3A_163 = tpu.matmul %convert_element_type3A_156, %get3A_161, %dot_general3A_162 {dimension_numbers = #tpu.dot_dimension_numbers<[1], [0], [0], [1], [0, 0, 1, 1], [], []>, transpose_lhs_hint = false} : vector<1024x64xbf16>, vector<64x100xbf16>, vector<1024x100xf32> -> vector<1024x100xf32>
    %add3A_164 = arith.addf %add3A_149, %dot_general3A_163 : vector<1024x100xf32>
    %get3A_165 = arith.constant 10 : index
    %get3A_166 = arith.constant 0 : index
    %get3A_167 = arith.constant 0 : index
    %get3A_168 = vector.load %arg1[%get3A_165, %get3A_166, %get3A_167] : memref<18x1024x128xf32, #tpu.memory_space<vmem>>, vector<1x1024x128xf32>
    %get3A_169 = vector.shape_cast %get3A_168 : vector<1x1024x128xf32> to vector<1024x128xf32>
    %slice3A_170 = vector.extract_strided_slice %get3A_169 {offsets = [0, 0], sizes = [1024, 64], strides = [1, 1]} : vector<1024x128xf32> to vector<1024x64xf32>
    %convert_element_type3A_171 = arith.truncf %slice3A_170 : vector<1024x64xf32> to vector<1024x64xbf16>
    %get3A_172 = arith.constant 10 : index
    %get3A_173 = arith.constant 0 : index
    %get3A_174 = arith.constant 0 : index
    %get3A_175 = vector.load %arg3[%get3A_172, %get3A_173, %get3A_174] : memref<18x64x100xbf16, #tpu.memory_space<vmem>>, vector<1x64x100xbf16>
    %get3A_176 = vector.shape_cast %get3A_175 : vector<1x64x100xbf16> to vector<64x100xbf16>
    %dot_general3A_177 = arith.constant dense<0.000000e+00> : vector<1024x100xf32>
    %dot_general3A_178 = tpu.matmul %convert_element_type3A_171, %get3A_176, %dot_general3A_177 {dimension_numbers = #tpu.dot_dimension_numbers<[1], [0], [0], [1], [0, 0, 1, 1], [], []>, transpose_lhs_hint = false} : vector<1024x64xbf16>, vector<64x100xbf16>, vector<1024x100xf32> -> vector<1024x100xf32>
    %add3A_179 = arith.addf %add3A_164, %dot_general3A_178 : vector<1024x100xf32>
    %get3A_180 = arith.constant 11 : index
    %get3A_181 = arith.constant 0 : index
    %get3A_182 = arith.constant 0 : index
    %get3A_183 = vector.load %arg1[%get3A_180, %get3A_181, %get3A_182] : memref<18x1024x128xf32, #tpu.memory_space<vmem>>, vector<1x1024x128xf32>
    %get3A_184 = vector.shape_cast %get3A_183 : vector<1x1024x128xf32> to vector<1024x128xf32>
    %slice3A_185 = vector.extract_strided_slice %get3A_184 {offsets = [0, 0], sizes = [1024, 64], strides = [1, 1]} : vector<1024x128xf32> to vector<1024x64xf32>
    %convert_element_type3A_186 = arith.truncf %slice3A_185 : vector<1024x64xf32> to vector<1024x64xbf16>
    %get3A_187 = arith.constant 11 : index
    %get3A_188 = arith.constant 0 : index
    %get3A_189 = arith.constant 0 : index
    %get3A_190 = vector.load %arg3[%get3A_187, %get3A_188, %get3A_189] : memref<18x64x100xbf16, #tpu.memory_space<vmem>>, vector<1x64x100xbf16>
    %get3A_191 = vector.shape_cast %get3A_190 : vector<1x64x100xbf16> to vector<64x100xbf16>
    %dot_general3A_192 = arith.constant dense<0.000000e+00> : vector<1024x100xf32>
    %dot_general3A_193 = tpu.matmul %convert_element_type3A_186, %get3A_191, %dot_general3A_192 {dimension_numbers = #tpu.dot_dimension_numbers<[1], [0], [0], [1], [0, 0, 1, 1], [], []>, transpose_lhs_hint = false} : vector<1024x64xbf16>, vector<64x100xbf16>, vector<1024x100xf32> -> vector<1024x100xf32>
    %add3A_194 = arith.addf %add3A_179, %dot_general3A_193 : vector<1024x100xf32>
    %get3A_195 = arith.constant 12 : index
    %get3A_196 = arith.constant 0 : index
    %get3A_197 = arith.constant 0 : index
    %get3A_198 = vector.load %arg1[%get3A_195, %get3A_196, %get3A_197] : memref<18x1024x128xf32, #tpu.memory_space<vmem>>, vector<1x1024x128xf32>
    %get3A_199 = vector.shape_cast %get3A_198 : vector<1x1024x128xf32> to vector<1024x128xf32>
    %slice3A_200 = vector.extract_strided_slice %get3A_199 {offsets = [0, 0], sizes = [1024, 64], strides = [1, 1]} : vector<1024x128xf32> to vector<1024x64xf32>
    %convert_element_type3A_201 = arith.truncf %slice3A_200 : vector<1024x64xf32> to vector<1024x64xbf16>
    %get3A_202 = arith.constant 12 : index
    %get3A_203 = arith.constant 0 : index
    %get3A_204 = arith.constant 0 : index
    %get3A_205 = vector.load %arg3[%get3A_202, %get3A_203, %get3A_204] : memref<18x64x100xbf16, #tpu.memory_space<vmem>>, vector<1x64x100xbf16>
    %get3A_206 = vector.shape_cast %get3A_205 : vector<1x64x100xbf16> to vector<64x100xbf16>
    %dot_general3A_207 = arith.constant dense<0.000000e+00> : vector<1024x100xf32>
    %dot_general3A_208 = tpu.matmul %convert_element_type3A_201, %get3A_206, %dot_general3A_207 {dimension_numbers = #tpu.dot_dimension_numbers<[1], [0], [0], [1], [0, 0, 1, 1], [], []>, transpose_lhs_hint = false} : vector<1024x64xbf16>, vector<64x100xbf16>, vector<1024x100xf32> -> vector<1024x100xf32>
    %add3A_209 = arith.addf %add3A_194, %dot_general3A_208 : vector<1024x100xf32>
    %get3A_210 = arith.constant 13 : index
    %get3A_211 = arith.constant 0 : index
    %get3A_212 = arith.constant 0 : index
    %get3A_213 = vector.load %arg1[%get3A_210, %get3A_211, %get3A_212] : memref<18x1024x128xf32, #tpu.memory_space<vmem>>, vector<1x1024x128xf32>
    %get3A_214 = vector.shape_cast %get3A_213 : vector<1x1024x128xf32> to vector<1024x128xf32>
    %slice3A_215 = vector.extract_strided_slice %get3A_214 {offsets = [0, 0], sizes = [1024, 64], strides = [1, 1]} : vector<1024x128xf32> to vector<1024x64xf32>
    %convert_element_type3A_216 = arith.truncf %slice3A_215 : vector<1024x64xf32> to vector<1024x64xbf16>
    %get3A_217 = arith.constant 13 : index
    %get3A_218 = arith.constant 0 : index
    %get3A_219 = arith.constant 0 : index
    %get3A_220 = vector.load %arg3[%get3A_217, %get3A_218, %get3A_219] : memref<18x64x100xbf16, #tpu.memory_space<vmem>>, vector<1x64x100xbf16>
    %get3A_221 = vector.shape_cast %get3A_220 : vector<1x64x100xbf16> to vector<64x100xbf16>
    %dot_general3A_222 = arith.constant dense<0.000000e+00> : vector<1024x100xf32>
    %dot_general3A_223 = tpu.matmul %convert_element_type3A_216, %get3A_221, %dot_general3A_222 {dimension_numbers = #tpu.dot_dimension_numbers<[1], [0], [0], [1], [0, 0, 1, 1], [], []>, transpose_lhs_hint = false} : vector<1024x64xbf16>, vector<64x100xbf16>, vector<1024x100xf32> -> vector<1024x100xf32>
    %add3A_224 = arith.addf %add3A_209, %dot_general3A_223 : vector<1024x100xf32>
    %get3A_225 = arith.constant 14 : index
    %get3A_226 = arith.constant 0 : index
    %get3A_227 = arith.constant 0 : index
    %get3A_228 = vector.load %arg1[%get3A_225, %get3A_226, %get3A_227] : memref<18x1024x128xf32, #tpu.memory_space<vmem>>, vector<1x1024x128xf32>
    %get3A_229 = vector.shape_cast %get3A_228 : vector<1x1024x128xf32> to vector<1024x128xf32>
    %slice3A_230 = vector.extract_strided_slice %get3A_229 {offsets = [0, 0], sizes = [1024, 64], strides = [1, 1]} : vector<1024x128xf32> to vector<1024x64xf32>
    %convert_element_type3A_231 = arith.truncf %slice3A_230 : vector<1024x64xf32> to vector<1024x64xbf16>
    %get3A_232 = arith.constant 14 : index
    %get3A_233 = arith.constant 0 : index
    %get3A_234 = arith.constant 0 : index
    %get3A_235 = vector.load %arg3[%get3A_232, %get3A_233, %get3A_234] : memref<18x64x100xbf16, #tpu.memory_space<vmem>>, vector<1x64x100xbf16>
    %get3A_236 = vector.shape_cast %get3A_235 : vector<1x64x100xbf16> to vector<64x100xbf16>
    %dot_general3A_237 = arith.constant dense<0.000000e+00> : vector<1024x100xf32>
    %dot_general3A_238 = tpu.matmul %convert_element_type3A_231, %get3A_236, %dot_general3A_237 {dimension_numbers = #tpu.dot_dimension_numbers<[1], [0], [0], [1], [0, 0, 1, 1], [], []>, transpose_lhs_hint = false} : vector<1024x64xbf16>, vector<64x100xbf16>, vector<1024x100xf32> -> vector<1024x100xf32>
    %add3A_239 = arith.addf %add3A_224, %dot_general3A_238 : vector<1024x100xf32>
    %get3A_240 = arith.constant 15 : index
    %get3A_241 = arith.constant 0 : index
    %get3A_242 = arith.constant 0 : index
    %get3A_243 = vector.load %arg1[%get3A_240, %get3A_241, %get3A_242] : memref<18x1024x128xf32, #tpu.memory_space<vmem>>, vector<1x1024x128xf32>
    %get3A_244 = vector.shape_cast %get3A_243 : vector<1x1024x128xf32> to vector<1024x128xf32>
    %slice3A_245 = vector.extract_strided_slice %get3A_244 {offsets = [0, 0], sizes = [1024, 64], strides = [1, 1]} : vector<1024x128xf32> to vector<1024x64xf32>
    %convert_element_type3A_246 = arith.truncf %slice3A_245 : vector<1024x64xf32> to vector<1024x64xbf16>
    %get3A_247 = arith.constant 15 : index
    %get3A_248 = arith.constant 0 : index
    %get3A_249 = arith.constant 0 : index
    %get3A_250 = vector.load %arg3[%get3A_247, %get3A_248, %get3A_249] : memref<18x64x100xbf16, #tpu.memory_space<vmem>>, vector<1x64x100xbf16>
    %get3A_251 = vector.shape_cast %get3A_250 : vector<1x64x100xbf16> to vector<64x100xbf16>
    %dot_general3A_252 = arith.constant dense<0.000000e+00> : vector<1024x100xf32>
    %dot_general3A_253 = tpu.matmul %convert_element_type3A_246, %get3A_251, %dot_general3A_252 {dimension_numbers = #tpu.dot_dimension_numbers<[1], [0], [0], [1], [0, 0, 1, 1], [], []>, transpose_lhs_hint = false} : vector<1024x64xbf16>, vector<64x100xbf16>, vector<1024x100xf32> -> vector<1024x100xf32>
    %add3A_254 = arith.addf %add3A_239, %dot_general3A_253 : vector<1024x100xf32>
    %get3A_255 = arith.constant 16 : index
    %get3A_256 = arith.constant 0 : index
    %get3A_257 = arith.constant 0 : index
    %get3A_258 = vector.load %arg1[%get3A_255, %get3A_256, %get3A_257] : memref<18x1024x128xf32, #tpu.memory_space<vmem>>, vector<1x1024x128xf32>
    %get3A_259 = vector.shape_cast %get3A_258 : vector<1x1024x128xf32> to vector<1024x128xf32>
    %slice3A_260 = vector.extract_strided_slice %get3A_259 {offsets = [0, 0], sizes = [1024, 64], strides = [1, 1]} : vector<1024x128xf32> to vector<1024x64xf32>
    %convert_element_type3A_261 = arith.truncf %slice3A_260 : vector<1024x64xf32> to vector<1024x64xbf16>
    %get3A_262 = arith.constant 16 : index
    %get3A_263 = arith.constant 0 : index
    %get3A_264 = arith.constant 0 : index
    %get3A_265 = vector.load %arg3[%get3A_262, %get3A_263, %get3A_264] : memref<18x64x100xbf16, #tpu.memory_space<vmem>>, vector<1x64x100xbf16>
    %get3A_266 = vector.shape_cast %get3A_265 : vector<1x64x100xbf16> to vector<64x100xbf16>
    %dot_general3A_267 = arith.constant dense<0.000000e+00> : vector<1024x100xf32>
    %dot_general3A_268 = tpu.matmul %convert_element_type3A_261, %get3A_266, %dot_general3A_267 {dimension_numbers = #tpu.dot_dimension_numbers<[1], [0], [0], [1], [0, 0, 1, 1], [], []>, transpose_lhs_hint = false} : vector<1024x64xbf16>, vector<64x100xbf16>, vector<1024x100xf32> -> vector<1024x100xf32>
    %add3A_269 = arith.addf %add3A_254, %dot_general3A_268 : vector<1024x100xf32>
    %get3A_270 = arith.constant 17 : index
    %get3A_271 = arith.constant 0 : index
    %get3A_272 = arith.constant 0 : index
    %get3A_273 = vector.load %arg1[%get3A_270, %get3A_271, %get3A_272] : memref<18x1024x128xf32, #tpu.memory_space<vmem>>, vector<1x1024x128xf32>
    %get3A_274 = vector.shape_cast %get3A_273 : vector<1x1024x128xf32> to vector<1024x128xf32>
    %slice3A_275 = vector.extract_strided_slice %get3A_274 {offsets = [0, 0], sizes = [1024, 64], strides = [1, 1]} : vector<1024x128xf32> to vector<1024x64xf32>
    %convert_element_type3A_276 = arith.truncf %slice3A_275 : vector<1024x64xf32> to vector<1024x64xbf16>
    %get3A_277 = arith.constant 17 : index
    %get3A_278 = arith.constant 0 : index
    %get3A_279 = arith.constant 0 : index
    %get3A_280 = vector.load %arg3[%get3A_277, %get3A_278, %get3A_279] : memref<18x64x100xbf16, #tpu.memory_space<vmem>>, vector<1x64x100xbf16>
    %get3A_281 = vector.shape_cast %get3A_280 : vector<1x64x100xbf16> to vector<64x100xbf16>
    %dot_general3A_282 = arith.constant dense<0.000000e+00> : vector<1024x100xf32>
    %dot_general3A_283 = tpu.matmul %convert_element_type3A_276, %get3A_281, %dot_general3A_282 {dimension_numbers = #tpu.dot_dimension_numbers<[1], [0], [0], [1], [0, 0, 1, 1], [], []>, transpose_lhs_hint = false} : vector<1024x64xbf16>, vector<64x100xbf16>, vector<1024x100xf32> -> vector<1024x100xf32>
    %add3A_284 = arith.addf %add3A_269, %dot_general3A_283 : vector<1024x100xf32>
    %get3A_285 = arith.constant 0 : index
    %get3A_286 = arith.constant 0 : index
    %get3A_287 = vector.load %arg7[%get3A_285, %get3A_286] : memref<1x100xf32, #tpu.memory_space<vmem>>, vector<1x100xf32>
    %add3A_288 = vector.broadcast %get3A_287 : vector<1x100xf32> to vector<1024x100xf32>
    %add3A_289 = arith.addf %add3A_284, %add3A_288 : vector<1024x100xf32>
    %max3A = arith.constant 0.000000e+00 : f32
    %max3A_290 = vector.broadcast %max3A : f32 to vector<1024x100xf32>
    %max3A_291 = arith.maximumf %add3A_289, %max3A_290 : vector<1024x100xf32>
    %convert_element_type3A_292 = arith.truncf %max3A_291 : vector<1024x100xf32> to vector<1024x100xbf16>
    %get3A_293 = arith.constant 0 : index
    %get3A_294 = arith.constant 0 : index
    %get3A_295 = vector.load %arg8[%get3A_293, %get3A_294] : memref<100x79xbf16, #tpu.memory_space<vmem>>, vector<100x79xbf16>
    %dot_general3A_296 = arith.constant dense<0.000000e+00> : vector<1024x79xf32>
    %dot_general3A_297 = tpu.matmul %convert_element_type3A_292, %get3A_295, %dot_general3A_296 {dimension_numbers = #tpu.dot_dimension_numbers<[1], [0], [0], [1], [0, 0, 1, 1], [], []>, transpose_lhs_hint = false} : vector<1024x100xbf16>, vector<100x79xbf16>, vector<1024x79xf32> -> vector<1024x79xf32>
    %get3A_298 = arith.constant 0 : index
    %get3A_299 = arith.constant 0 : index
    %get3A_300 = vector.load %arg9[%get3A_298, %get3A_299] : memref<1x79xf32, #tpu.memory_space<vmem>>, vector<1x79xf32>
    %add3A_301 = vector.broadcast %get3A_300 : vector<1x79xf32> to vector<1024x79xf32>
    %add3A_302 = arith.addf %dot_general3A_297, %add3A_301 : vector<1024x79xf32>
    %swap3A = arith.constant 0 : index
    %swap3A_303 = arith.constant 0 : index
    %swap3A_304 = vector.load %arg10[%swap3A, %swap3A_303] : memref<1024x79xf32, #tpu.memory_space<vmem>>, vector<1024x79xf32>
    tpu.vector_store %arg10[%swap3A, %swap3A_303], %add3A_302 {strides = array<i32>} : memref<1024x79xf32, #tpu.memory_space<vmem>>, vector<1024x79xf32>,
    return
  }
  func.func @transform_0(%arg0: i32) -> (i32, i32, i32) {
    %c0_i32 = arith.constant 0 : i32
    %c0_i32_0 = arith.constant 0 : i32
    %c0_i32_1 = arith.constant 0 : i32
    return %c0_i32, %arg0, %c0_i32_0 : i32, i32, i32
  }
  func.func @transform_1(%arg0: i32) -> (i32, i32) {
    %c0_i32 = arith.constant 0 : i32
    %c0_i32_0 = arith.constant 0 : i32
    return %arg0, %c0_i32 : i32, i32
  }
  func.func @transform_2(%arg0: i32) -> (i32, i32, i32) {
    %c0_i32 = arith.constant 0 : i32
    %c0_i32_0 = arith.constant 0 : i32
    %c0_i32_1 = arith.constant 0 : i32
    %c0_i32_2 = arith.constant 0 : i32
    return %c0_i32, %c0_i32_0, %c0_i32_1 : i32, i32, i32
  }
  func.func @transform_3(%arg0: i32) -> (i32, i32) {
    %c0_i32 = arith.constant 0 : i32
    %c0_i32_0 = arith.constant 0 : i32
    %c0_i32_1 = arith.constant 0 : i32
    return %c0_i32, %c0_i32_0 : i32, i32
  }
  func.func @transform_4(%arg0: i32) -> (i32, i32) {
    %c0_i32 = arith.constant 0 : i32
    %c0_i32_0 = arith.constant 0 : i32
    %c0_i32_1 = arith.constant 0 : i32
    return %c0_i32, %c0_i32_0 : i32, i32
  }
  func.func @transform_5(%arg0: i32) -> (i32, i32) {
    %c0_i32 = arith.constant 0 : i32
    %c0_i32_0 = arith.constant 0 : i32
    %c0_i32_1 = arith.constant 0 : i32
    return %c0_i32, %c0_i32_0 : i32, i32
  }
  func.func @transform_6(%arg0: i32) -> (i32, i32) {
    %c0_i32 = arith.constant 0 : i32
    %c0_i32_0 = arith.constant 0 : i32
    %c0_i32_1 = arith.constant 0 : i32
    return %c0_i32, %c0_i32_0 : i32, i32
  }
  func.func @transform_7(%arg0: i32) -> (i32, i32) {
    %c0_i32 = arith.constant 0 : i32
    %c0_i32_0 = arith.constant 0 : i32
    %c0_i32_1 = arith.constant 0 : i32
    return %c0_i32, %c0_i32_0 : i32, i32
  }
  func.func @transform_8(%arg0: i32) -> (i32, i32) {
    %c0_i32 = arith.constant 0 : i32
    %c0_i32_0 = arith.constant 0 : i32
    %c0_i32_1 = arith.constant 0 : i32
    return %c0_i32, %c0_i32_0 : i32, i32
  }
  func.func @transform_9(%arg0: i32) -> (i32, i32) {
    %c0_i32 = arith.constant 0 : i32
    %c0_i32_0 = arith.constant 0 : i32
    return %arg0, %c0_i32 : i32, i32
  }
}

</mosaic_0001>

<sc_bundles>
// kernel: kernel.6.cloned.1.call-start
scs
__scs_entry_jumppad:
0x0: {  	(pc) =	sbr.rel $0x88, $3  }
0x1: {  	(tag) =	ssettag $0x0;
	lr =	simm.s32 $0x1  }
0x2: {  	[smem:$0x3F97] =	sst lr;
	_ =	strace $0xD0000000  }
0x3: {  	_ = 	snop  }
0x4: {  	_ = 	snop  }
0x5: {  	_ = 	snop  }
0x6: {  	_ = 	snop  }
0x7: {  	_ = 	snop  }
__scs_overlays_trampoline_lowered:
0x8: {  	[smem:$0x3FA6] =	sst s0  }
0x9: {  	[smem:$0x3FA7] =	sst s1  }
0xa: {  	[smem:$0x3FA8] =	sst s2  }
0xb: {  	[smem:$0x3FA9] =	sst s3  }
0xc: {  	[smem:$0x3FAA] =	sst s4  }
0xd: {  	[smem:$0x3FAB] =	sst s5  }
0xe: {  	[smem:$0x3FAC] =	sst s6  }
0xf: {  	[smem:$0x3FAD] =	sst s7  }
0x10: {  	[smem:$0x3FAE] =	sst s8  }
0x11: {  	[smem:$0x3FAF] =	sst s9;
	s0 =	simm.s32 @!p0 $0x0  }
0x12: {  	s1 =	sld [smem:$0x3F95];
	s0 =	simm.s32 @p0 $0x1  }
0x13: {  	[smem:$0x3FB0] =	sst s0;
	s0 =	simm.s32 @!p1 $0x0  }
0x14: {  	s2 =	sld [smem:$0x3F94];
	s0 =	simm.s32 @p1 $0x1  }
0x15: {  	[smem:$0x3FB1] =	sst s0;
	s0 =	simm.s32 @!p2 $0x0  }
0x16: {  	s3 =	sld [smem:$0x3FDB];
	s0 =	simm.s32 @p2 $0x1  }
0x17: {  	s4 =	simm.s32 $0x1BF5;
	[smem:$0x3FB3] =	sst s0  }
0x18: {  	s0 =	sld [smem:$0x3F96];
	_ =	swait.ge [sflag:s4], $0x0  }
0x19: {  	s7 =	sld [smem:$0x3F97]  }
0x1a: {  	s8 =	sadd.s32 $0xFFFFE003, lr  }
0x1b: {  	s9 =	sadd.s32 $0xFFFFFEF7, lr;
	s5 =	simm.s32 $0xFFFFFFFF;
	p2 =	slt.u32 s8, $0xFFFFF086  }
0x1c: {  	p1 =	slt.u32 s9, $0xF7A;
	s5 =	simm.s32 @!p2 $0x0  }
0x1d: {  	s5 =	simm.s32 @p1 $0x1;
	p0 =	seq.s32 s7, s2  }
0x1e: {  	s7 =	smul.u32 @!p0 $0xF7A, s2;
	p2 =	seq.s32 @!p0 s5, $0x0  }
0x1f: {  	s9 =	smul.u32 $0xF7A, s1;
	s8 =	simm.s32 @!p0 $0x1BF5;
	p2 =	por !p2, p0  }
0x20: {  	[sflag:s8] =	ssyncset.s32 @!p0 $0xFFFFF086;
	s6 =	sadd.s32 @!p0 s3, s7;
	s7 =	simm.s32 @!p0 $0x108  }
0x21: {  	s3 =	sadd.s32 s3, s9;
	s6 =	sadd.s32 @!p0 $0x88, s6;
	s7 =	simm.s32 @p2 $0x1082  }
0x22: {  	[simem:s7], [sflag:s8] =	dma.local @!p0 [hbm:s6], $0xF7A  }
0x23: {  	s9 =	sor.u32 $0xD0000000, s2;
	s6 =	simm.s32 $0x108;
	_ =	swait.ge @!p0 [sflag:s8], $0x0  }
0x24: {  	s3 =	sadd.s32 $0x88, s3;
	s6 =	simm.s32 @!p1 $0x1082;
	[sflag:s4] =	ssyncset.s32 $0xFFFFF086  }
0x25: {  	[simem:s6], [sflag:s4] =	dma.local [hbm:s3], $0xF7A  }
0x26: {  	[smem:$0x3F97] =	sst s1;
	(tag) =	ssettag s2;
	_ =	strace s9  }
0x27: {  	s1 =	sld [smem:$0x3FA7]  }
0x28: {  	s2 =	sld [smem:$0x3FA8]  }
0x29: {  	s4 =	sld [smem:$0x3FAA]  }
0x2a: {  	p0 =	seq.s32 s5, $0x0;
	s5 =	sld [smem:$0x3FAB]  }
0x2b: {  	s6 =	sld [smem:$0x3FAC]  }
0x2c: {  	s7 =	sld [smem:$0x3FAD]  }
0x2d: {  	s3 =	simm.s32 $0x108;
	s8 =	sld [smem:$0x3FAE]  }
0x2e: {  	s3 =	simm.s32 @!p0 $0x1082;
	s9 =	sld [smem:$0x3FAF]  }
0x2f: {  	lr =	sadd.s32 s0, s3;
	s0 =	sld [smem:$0x3FA6]  }
0x30: {  	s3 =	sld [smem:$0x3FA9]  }
0x31: {  	[smem:$0x3FB2] =	sst s10  }
0x32: {  	s10 =	sld [smem:$0x3FB0];
	_ =	sdelay $0x3  }
0x33: {  	p0 =	seq.s32 s10, $0x1;
	s10 =	sld [smem:$0x3FB2];
	_ =	sdelay $0x3  }
0x34: {  	[smem:$0x3FB2] =	sst s10  }
0x35: {  	s10 =	sld [smem:$0x3FB1];
	_ =	sdelay $0x3  }
0x36: {  	p1 =	seq.s32 s10, $0x1;
	s10 =	sld [smem:$0x3FB2];
	_ =	sdelay $0x3  }
0x37: {  	[smem:$0x3FB2] =	sst s10  }
0x38: {  	s10 =	sld [smem:$0x3FB3]  }
0x39: {  	_ = 	snop;
	(pc) =	sbr.ind lr, $3  }
0x3a: {  	_ = 	snop  }
0x3b: {  	_ = 	snop  }
0x3c: {  	p2 =	seq.s32 s10, $0x1;
	s10 =	sld [smem:$0x3FB2]  }
0x3d: {  	_ =	shalt  }
0x3e: {  	_ =	shalt  }
0x3f: {  	_ =	shalt  }
0x40: {  	_ =	shalt  }
0x41: {  	_ =	shalt  }
0x42: {  	_ =	shalt  }
0x43: {  	_ =	shalt  }
0x44: {  	_ =	shalt  }
0x45: {  	_ =	shalt  }
0x46: {  	_ =	shalt  }
0x47: {  	_ =	shalt  }
0x48: {  	_ =	shalt  }
0x49: {  	_ =	shalt  }
0x4a: {  	_ =	shalt  }
0x4b: {  	_ =	shalt  }
0x4c: {  	_ =	shalt  }
0x4d: {  	_ =	shalt  }
0x4e: {  	_ =	shalt  }
0x4f: {  	_ =	shalt  }
0x50: {  	_ =	shalt  }
0x51: {  	_ =	shalt  }
0x52: {  	_ =	shalt  }
0x53: {  	_ =	shalt  }
0x54: {  	_ =	shalt  }
0x55: {  	_ =	shalt  }
0x56: {  	_ =	shalt  }
0x57: {  	_ =	shalt  }
0x58: {  	_ =	shalt  }
0x59: {  	_ =	shalt  }
0x5a: {  	_ =	shalt  }
0x5b: {  	_ =	shalt  }
0x5c: {  	_ =	shalt  }
0x5d: {  	_ =	shalt  }
0x5e: {  	_ =	shalt  }
0x5f: {  	_ =	shalt  }
0x60: {  	_ =	shalt  }
0x61: {  	_ =	shalt  }
0x62: {  	_ =	shalt  }
0x63: {  	_ =	shalt  }
0x64: {  	_ =	shalt  }
0x65: {  	_ =	shalt  }
0x66: {  	_ =	shalt  }
0x67: {  	_ =	shalt  }
0x68: {  	_ =	shalt  }
0x69: {  	_ =	shalt  }
0x6a: {  	_ =	shalt  }
0x6b: {  	_ =	shalt  }
0x6c: {  	_ =	shalt  }
0x6d: {  	_ =	shalt  }
0x6e: {  	_ =	shalt  }
0x6f: {  	_ =	shalt  }
0x70: {  	_ =	shalt  }
0x71: {  	_ =	shalt  }
0x72: {  	_ =	shalt  }
0x73: {  	_ =	shalt  }
0x74: {  	_ =	shalt  }
0x75: {  	_ =	shalt  }
0x76: {  	_ =	shalt  }
0x77: {  	_ =	shalt  }
0x78: {  	_ =	shalt  }
0x79: {  	_ =	shalt  }
0x7a: {  	_ =	shalt  }
0x7b: {  	_ =	shalt  }
0x7c: {  	_ =	shalt  }
0x7d: {  	_ =	shalt  }
0x7e: {  	_ =	shalt  }
0x7f: {  	_ =	shalt  }
0x80: {  	_ =	shalt  }
0x81: {  	_ =	shalt  }
0x82: {  	_ =	shalt  }
0x83: {  	_ =	shalt  }
0x84: {  	_ =	shalt  }
0x85: {  	_ =	shalt  }
0x86: {  	_ =	shalt  }
0x87: {  	_ =	shalt  }
.Lfunc_end0:
.L_simem_size_0:
called_computation_lowered:
.L_overlay_start_0:
0x88: {  	s2 =	sld [smem:$0x3FD9]  }
0x89: {  	s3 =	sld [smem:$0x3FFE];
	_ =	sdelay $0x1  }
0x8a: {  	s1 =	srdreg.scid  }
0x8b: {  	s0 =	sand.u32 $0x1, s1  }
0x8c: {  	s17 =	sshll.u32 s0, $0xA;
	s2 =	sadd.s32 s3, s2  }
0x8d: {  	s2 =	sadd.s32 s2, s17  }
0x8e: {  	[smem:$0x3FBE] =	sst s2  }
0x8f: {  	_ = 	snop  }
0x90: {  	s2 =	sld [smem:$0x3FD0];
	(tm) =	ssettm $0x1  }
0x91: {  	s18 =	sld [smem:$0x3FFB];
	_ =	sdelay $0x3  }
0x92: {  	_ =	strace s18  }
0x93: {  	s3 =	sld [smem:$0x3FFC];
	_ =	sdelay $0x3  }
0x94: {  	_ =	strace s3  }
0x95: {  	s3 =	sld [smem:$0x3FFD];
	_ =	sdelay $0x3  }
0x96: {  	_ =	strace s3  }
0x97: {  	_ =	strace $0x8FFFFFFF  }
0x98: {  	s19 =	sld [smem:$0x3FDB];
	_ =	sdelay $0x1  }
0x99: {  	s4 =	simm.s32 $_scs_section_size  }
0x9a: {  	s5 =	simm.s32 $_size__tile_overlayer_lowered;
	s6 =	simm.s32 $_tile_overlayer_lowered  }
0x9b: {  	s22 =	simm.s32 $0x1BFF;
	s21 =	sshll.u32 s6, $0x1;
	s3 =	sadd.s32 s4, s19  }
0x9c: {  	s7 =	simm.s32 $0x0;
	s20 =	sshll.u32 s5, $0x1;
	s5 =	sadd.s32 s21, s3  }
0x9d: {  	[timem:s7], [sflag:s22] =	dma.local [hbm:s5], s20  }
0x9e: {  	_ =	swait.ge [sflag:s22], s20  }
0x9f: {  	s4 =	ssub.s32 $0x0, s20;
	[sflag:s22] =	ssyncset.done $0x0  }
0xa0: {  	[sflag:s22] =	ssyncadd.s32 s4;
	_ =	sdelay $0x1  }
0xa1: {  	s23 =	simm.s32 $0x1B8B  }
0xa2: {  	_ =	swait.ge [sflag:s23], $0x1  }
0xa3: {  	[sflag:s23] =	ssyncset.done $0x0  }
0xa4: {  	s25 =	simm.s32 $0x1B8E;
	s24 =	sld [smem:$0x3FFE];
	[sflag:s23] =	ssyncadd.s32 $0xFFFFFFFF  }
0xa5: {  	s26 =	simm.s32 $execute0_lowered;
	[smem:$0x3FD2] =	sst s25  }
0xa6: {  	s5 =	sshll.u32 s26, $0x1;
	_ =	strace $0x80000046;
	[dreg:$0x1] =	wrdreg $0xFFFFFFFF  }
0xa7: {  	s28 =	simm.s32 $_size_execute0_lowered;
	s3 =	sadd.s32 s3, s5;
	[dreg:$0x0] =	wrdreg $0x0  }
0xa8: {  	s5 =	sshll.u32 s28, $0x1;
	[dreg:$0x2] =	wrdreg s3  }
0xa9: {  	[dreg:$0x3] =	wrdreg s5  }
0xaa: {  	[dreg:$0x4] =	wrdreg $0xC0  }
0xab: {  	_ =	task [dreg:s7], $0x5FFFF  }
0xac: {  	[dreg:$0x1] =	wrdreg $0xFFFFFFFF  }
0xad: {  	[dreg:$0x0] =	wrdreg $0x60  }
0xae: {  	[dreg:$0x2] =	wrdreg s24  }
0xaf: {  	[dreg:$0x3] =	wrdreg s2  }
0xb0: {  	[dreg:$0x4] =	wrdreg $0x9  }
0xb1: {  	_ =	task.clear_ibuf [dreg:s7], $0x5FFFF;
	_ =	strace $0x90000046  }
0xb2: {  	s29 =	simm.s32 $0x9;
	_ =	strace $0x80000048  }
0xb3: {  	_ =	swait.ge [sflag:s29], $0x1  }
0xb4: {  	[sflag:s29] =	ssyncadd.s32 $0xFFFFFFFF  }
0xb5: {  	_ =	strace $0x90000048  }
0xb6: {  	_ =	sfence  }
0xb7: {  	s30 =	sld [smem:$0x0];
	_ =	sdelay $0x2  }
0xb8: {  	s31 =	sshll.u32 s1, $0xD;
	s1 =	sshrl.u32 s1, $0x2  }
0xb9: {  	s3 =	sand.u32 $0x4000, s31;
	s1 =	sadd.s32 s1, s30  }
0xba: {  	s0 =	sor.u32 s3, s0;
	s1 =	sshll.u32 s1, $0x11  }
0xbb: {  	s0 =	sor.u32 s1, s0  }
0xbc: {  	s0 =	sadd.s32 $0x8F2B, s0  }
0xbd: {  	[sflag:s0] =	ssyncadd.remote.s32 $0x1  }
0xbe: {  	_ =	sfence.sel $0xFFFF  }
0xbf: {  	[dreg:$0x0] =	wrdreg $0xFFFFFFFF;
	(pc) =	sbr.abs _section_cstart, $3  }
0xc0: {  	[dreg:$0x1] =	wrdreg $0xFFFFFFFF  }
0xc1: {  	_ =	task.clear_ibuf [dreg:s7], $0x2FFFF;
	_ =	strace $0x9FFFFFFF  }
0xc2: {  	(tm) =	ssettm $0x7FFFFFFF  }
0xc3: {  	_ =	shalt  }
tec
execute0_lowered:
.L_overlay_start_1:
0x0: {  	(tag) =	ssettag $0x1  }
0x1: {  	s4 =	rddreg [dreg:$0x0]  }
0x2: {  	s5 =	rddreg [dreg:$0x1]  }
0x3: {  	s0 =	rddreg [dreg:$0x2]  }
0x4: {  	s3 =	srdreg.scid;
	s1 =	stileid.u32  }
0x5: {  	s2 =	simm.s32 $0x0;
	s10 =	simm.s32 $0x2400;
	s11 =	simm.s32 $0x6400  }
0x6: {  	s12 =	simm.s32 $0xA400;
	s13 =	simm.s32 $0xE400;
	s14 =	simm.s32 $0x1  }
0x7: {  	s15 =	simm.s32 $0x2;
	s16 =	simm.s32 $0x0;
	s3 =	sand.u32 $0x1, s3  }
0x8: {  	s6 =	sshll.u32 s1, $0x1;
	[smem:$0x7FF] =	sst s2;
	s7 =	ssub.s32 $0x2, s3  }
0x9: {  	s6 =	sor.u32 s3, s6;
	_ =	strace $0x80000047;
	s3 =	sadd.s32 $0x1E00, s4  }
0xa: {  	s4 =	sadd.s32 $0xF44400, s4;
	s8 =	sshrl.u32 s7, $0x1;
	s9 =	smul.u32 $0x480, s6  }
0xb: {  	s6 =	smul.u32 $0x120000, s6;
	s7 =	ssub.s32 s7, s8;
	s8 =	simm.s32 $0x3  }
0xc: {  	s5 =	sadd.s32 s5, s9;
	s7 =	smax.u32 s7, $0x1;
	s9 =	simm.s32 $0x80  }
.LBB2_1:
0xd: {  	[tilespmem:s2], [sflag:$0x3] =	stream.linear.gather [hbm4b:s5+s2], $0x2400, $0x38;
	[tilespmem:$0x12400] =	vst v63  }
0xe: {  	_ =	swait.ge [sflag:s8], $0x2400  }
0xf: {  	[sflag:s8] =	ssyncset.done $0x0  }
0x10: {  	[sflag:s8] =	ssyncadd.s32 $0xFFFFDC00  }
0x11: {  	[tilespmem:s10], [sflag:$0x1] =	stream.indirect.gather [hbm4b:s3+s9], $0x80, s2, s9, $0xb8;
	[tilespmem:$0x12400] =	vst v63  }
0x12: {  	s17 =	simm.s32 $0x0  }
0x13: {  	[tilespmem:s11], [sflag:$0x1] =	stream.indirect.gather [hbm4b:s3+s9], $0x80, s9, s9, $0xb8;
	[tilespmem:$0x12400] =	vst v63  }
.LBB2_2:
0x14: {  	s18 =	sshllo.u32 s17, $0x1  }
0x15: {  	s19 =	sshll.u32 s18, $0x8  }
0x16: {  	s19 =	sand.u32 $0x3FFFFF00, s19  }
0x17: {  	[tilespmem:s12], [sflag:$0x2] =	stream.indirect.gather [hbm4b:s3+s9], $0x80, s19, s9, $0xb8;
	[tilespmem:$0x12400] =	vst v63  }
0x18: {  	s31 =	sshll.u32 s17, $0x10;
	s19 =	sor.u32 $0x80, s19  }
0x19: {  	[tilespmem:s13], [sflag:$0x2] =	stream.indirect.gather [hbm4b:s3+s9], $0x80, s19, s9, $0xb8;
	[tilespmem:$0x12400] =	vst v63  }
0x1a: {  	s19 =	sadd.s32 s6, s31  }
0x1b: {  	s20 =	simm.s32 $0x2400;
	_ =	swait.ge [sflag:s14], $0x8000;
	s19 =	sshrl.u32 s19, $0x3  }
0x1c: {  	s21 =	simm.s32 $0x10;
	[sflag:s14] =	ssyncset.done $0x0;
	s19 =	sadd.s32 s4, s19  }
0x1d: {  	s22 =	simm.s32 $0x2480;
	[sflag:s14] =	ssyncadd.s32 $0xFFFF8000;
	s23 =	sadd.s32 $0x0, s19  }
.LBB2_3:
0x1e: {  	[hbm4b:s23+s2] =	stream.linear.scatter [tilespmem:s20], [sflag:$0x3], $0x40, $0x38;
	[tilespmem:$0x12400] =	vst v63  }
0x1f: {  	s23 =	smov.u32 s21;
	s20 =	smov.u32 s22;
	p0 =	sne.s32 s21, $0xFF0  }
.Ltmp0:
0x20: {  	s21 =	sadd.s32 $0x10, s21;
	(pc) =	sbr.rel @p0 .LBB2_3-.Ltmp0, $2  }
0x21: {  	_ =	sdelay $0x2  }
0x22: {  	s22 =	sadd.s32 $0x80, s22;
	s23 =	sadd.s32 s23, s19  }
0x23: {  	[hbm4b:s23+s2] =	stream.linear.scatter [tilespmem:s20], [sflag:$0x3], $0x40, $0x38;
	[tilespmem:$0x12400] =	vst v63  }
0x24: {  	p0 =	seq.s32 s17, $0x11;
	s18 =	sshll.u32 s18, $0xF  }
0x25: {  	_ =	swait.ge [sflag:s8], $0x4000;
	s19 =	sshll.u32 @!p0 s17, $0x9;
	s21 =	simm.s32 @!p0 $0x80  }
0x26: {  	s22 =	simm.s32 @!p0 $0x2400;
	[sflag:s8] =	ssyncset.done $0x0;
	s19 =	sand.u32 @!p0 $0x3FFFFE00, s19  }
0x27: {  	s18 =	sadd.s32 s6, s18;
	[sflag:s8] =	ssyncadd.s32 $0xFFFFC000;
	s20 =	sadd.s32 @!p0 $0x200, s19  }
0x28: {  	[tilespmem:s22], [sflag:$0x1] =	stream.indirect.gather @!p0 [hbm4b:s3+s21], $0x80, s20, s21, $0xb8;
	[tilespmem:$0x12400] =	vst v63  }
0x29: {  	s18 =	sshrl.u32 s18, $0x3;
	s19 =	sadd.s32 @!p0 $0x280, s19;
	s20 =	simm.s32 @!p0 $0x6400  }
0x2a: {  	[tilespmem:s20], [sflag:$0x1] =	stream.indirect.gather @!p0 [hbm4b:s3+s21], $0x80, s19, s21, $0xb8;
	[tilespmem:$0x12400] =	vst v63  }
0x2b: {  	s18 =	sadd.s32 s4, s18;
	_ =	swait.ge [sflag:s15], $0x8000  }
0x2c: {  	s22 =	sadd.s32 $0x0, s18;
	s19 =	simm.s32 $0xA400;
	[sflag:s15] =	ssyncset.done $0x0  }
0x2d: {  	s20 =	simm.s32 $0x10;
	s21 =	simm.s32 $0xA480;
	[sflag:s15] =	ssyncadd.s32 $0xFFFF8000  }
.LBB2_5:
0x2e: {  	[hbm4b:s22+s2] =	stream.linear.scatter [tilespmem:s19], [sflag:$0x3], $0x40, $0x38;
	[tilespmem:$0x12400] =	vst v63  }
0x2f: {  	s22 =	smov.u32 s20;
	s19 =	smov.u32 s21;
	p0 =	sne.s32 s20, $0xFF0  }
.Ltmp1:
0x30: {  	s20 =	sadd.s32 $0x10, s20;
	(pc) =	sbr.rel @p0 .LBB2_5-.Ltmp1, $2  }
0x31: {  	_ =	sdelay $0x2  }
0x32: {  	s21 =	sadd.s32 $0x80, s21;
	s22 =	sadd.s32 s22, s18  }
0x33: {  	s17 =	sadd.s32 $0x1, s17  }
0x34: {  	p0 =	sne.s32 s17, $0x12  }
.Ltmp2:
0x35: {  	_ = 	snop;
	(pc) =	sbr.rel @p0 .LBB2_2-.Ltmp2, $4  }
0x36: {  	[hbm4b:s22+s2] =	stream.linear.scatter [tilespmem:s19], [sflag:$0x3], $0x40, $0x38;
	[tilespmem:$0x12400] =	vst v63  }
0x37: {  	_ =	swait.ge [sflag:s8], $0x4000  }
0x38: {  	[sflag:s8] =	ssyncset.done $0x0  }
0x39: {  	[sflag:s8] =	ssyncadd.s32 $0xFFFFC000  }
0x3a: {  	s16 =	sadd.s32 $0x1, s16  }
0x3b: {  	p0 =	sne.s32 s16, s7  }
.Ltmp3:
0x3c: {  	_ = 	snop;
	(pc) =	sbr.rel @p0 .LBB2_1-.Ltmp3, $1  }
0x3d: {  	_ =	sdelay $0x3  }
0x3e: {  	_ =	sfence.sel $0x180000  }
0x3f: {  	[bflag:$0x0] =	sbarrier.arrive $0xFFFF  }
0x40: {  	p0 =	sne.s32 s1, $0x0;
	_ =	strace $0x90000047  }
0x41: {  	s0 =	sadd.s32 @!p0 $0x100000, s0;
	[bflag:$0x2] =	sbarrier.arrive $0xFFFF  }
0x42: {  	[sflag:s0] =	ssyncadd.tile.s32 @!p0 $0x1;
	_ =	shalt  }
.Lfunc_end2:
_tile_overlayer_lowered:
.L_overlay_start_2:
0x43: {  	(tag) =	ssettag $0x2  }
0x44: {  	s0 =	rddreg [dreg:$0x0];
	s2 =	stileid.u32  }
0x45: {  	s1 =	rddreg [dreg:$0x1];
	p0 =	sne.s32 s2, $0x0  }
0x46: {  	s3 =	rddreg [dreg:$0x2];
	[bflag:$0x3] =	sbarrier.arrive $0xFFFF;
	s2 =	simm.s32 @!p0 $0x1C03  }
0x47: {  	[timem:s3], [sflag:s2] =	dma.local @!p0 [hbm:s0], s1  }
0x48: {  	s0 =	simm.s32 @!p0 $0x3  }
0x49: {  	_ =	swait.ge @!p0 [sflag:s0], s1  }
0x4a: {  	s1 =	ssub.s32 @!p0 $0x0, s1;
	[sflag:s0] =	ssyncset.done @!p0 $0x0  }
0x4b: {  	[sflag:s0] =	ssyncadd.s32 @!p0 s1  }
0x4c: {  	[bflag:$0x3] =	sbarrier.arrive $0xFFFF  }
0x4d: {  	_ =	shalt  }

</sc_bundles>
